<compile_context>
chip_gen: v7x
topology: tpu7x:2x2x1
jax: 0.10.2.dev20260603
libtpu: 0.0.44.dev20260713+nightly
codegen_flags: <defaults>
</compile_context>

<pallas_src>
import functools

import jax
import jax.numpy as jnp
from jax import lax
from jax.experimental import pallas as pl
from jax.experimental.pallas import tpu as pltpu
from jax.experimental.pallas import tpu_sc as plsc

BATCH = 16384
FACTOR = 32
L = 16
NUM_WORKERS = 32
B_PER_W = BATCH // NUM_WORKERS
CHUNK = 128
N_CHUNKS = B_PER_W // CHUNK
GROUPS = B_PER_W // L


def _bpr_kernel(user, item_i, item_j, user_emb, item_emb,
                out_i, out_j,
                idx_u, idx_i, idx_j,
                rows_u, rows_i, rows_j,
                acc_i_v, acc_j_v, sem):
    c = lax.axis_index("c")
    s = lax.axis_index("s")
    wid = s * 2 + c
    base = wid * B_PER_W

    pltpu.sync_copy(user.at[pl.ds(base, B_PER_W)], idx_u)
    pltpu.sync_copy(item_i.at[pl.ds(base, B_PER_W)], idx_i)
    pltpu.sync_copy(item_j.at[pl.ds(base, B_PER_W)], idx_j)

    copies = []
    for cch in range(N_CHUNKS):
        sl = pl.ds(cch * CHUNK, CHUNK)
        copies.append(pltpu.make_async_copy(
            user_emb.at[idx_u.at[sl]], rows_u.at[sl], sem))
        copies.append(pltpu.make_async_copy(
            item_emb.at[idx_i.at[sl]], rows_i.at[sl], sem))
        copies.append(pltpu.make_async_copy(
            item_emb.at[idx_j.at[sl]], rows_j.at[sl], sem))
    for cp in copies:
        cp.start()
    for cp in copies:
        cp.wait()

    lanes = lax.iota(jnp.int32, L)

    def group_body(g, carry):
        row0 = g * L
        acc_i = jnp.zeros((L,), jnp.float32)
        acc_j = jnp.zeros((L,), jnp.float32)
        for l in range(L):
            b = row0 + l
            u0 = rows_u[b, pl.ds(0, L)]
            u1 = rows_u[b, pl.ds(L, L)]
            vi0 = rows_i[b, pl.ds(0, L)]
            vi1 = rows_i[b, pl.ds(L, L)]
            vj0 = rows_j[b, pl.ds(0, L)]
            vj1 = rows_j[b, pl.ds(L, L)]
            di = jnp.sum(u0 * vi0 + u1 * vi1)
            dj = jnp.sum(u0 * vj0 + u1 * vj1)
            mask = lanes == l
            acc_i = jnp.where(mask, di, acc_i)
            acc_j = jnp.where(mask, dj, acc_j)
        acc_i_v[pl.ds(row0, L)] = acc_i
        acc_j_v[pl.ds(row0, L)] = acc_j
        return carry

    lax.fori_loop(0, GROUPS, group_body, 0)

    pltpu.sync_copy(acc_i_v, out_i.at[pl.ds(base, B_PER_W)])
    pltpu.sync_copy(acc_j_v, out_j.at[pl.ds(base, B_PER_W)])


@jax.jit
def kernel(user, item_i, item_j, user_emb, item_emb):
    mesh = plsc.VectorSubcoreMesh(core_axis_name="c", subcore_axis_name="s")
    f32 = jnp.float32
    run = functools.partial(
        pl.kernel,
        out_type=(jax.ShapeDtypeStruct((BATCH,), f32),
                  jax.ShapeDtypeStruct((BATCH,), f32)),
        mesh=mesh,
        scratch_types=[
            pltpu.VMEM((B_PER_W,), jnp.int32),
            pltpu.VMEM((B_PER_W,), jnp.int32),
            pltpu.VMEM((B_PER_W,), jnp.int32),
            pltpu.VMEM((B_PER_W, FACTOR), f32),
            pltpu.VMEM((B_PER_W, FACTOR), f32),
            pltpu.VMEM((B_PER_W, FACTOR), f32),
            pltpu.VMEM((B_PER_W,), f32),
            pltpu.VMEM((B_PER_W,), f32),
            pltpu.SemaphoreType.DMA,
        ],
        compiler_params=pltpu.CompilerParams(
            needs_layout_passes=False, use_tc_tiling_on_sc=False),
    )(_bpr_kernel)
    return run(user.astype(jnp.int32), item_i.astype(jnp.int32),
               item_j.astype(jnp.int32), user_emb, item_emb)

# --- scband reference (transcript-rebuilt; emitter-appended) ---
"""Pipeline reference for scband-bprmodel-71966472011890 (READ-ONLY COPY).

The authoritative reference and input builder live on the scoring server;
editing this copy changes nothing except your own understanding.
"""

import jax, jax.numpy as jnp
import numpy as np

USER_NUM = 1000000
ITEM_NUM = 1000000
FACTOR_NUM = 32
BATCH = 16384

def setup_inputs(seed: int = 0) -> dict:
    key = jax.random.key(seed)
    k1, k2, k3, k4, k5 = jax.random.split(key, 5)
    user = jax.random.randint(k1, (BATCH,), 0, USER_NUM, dtype=jnp.int64 if jax.config.jax_enable_x64 else jnp.int32)
    item_i = jax.random.randint(k2, (BATCH,), 0, ITEM_NUM, dtype=jnp.int64 if jax.config.jax_enable_x64 else jnp.int32)
    item_j = jax.random.randint(k3, (BATCH,), 0, ITEM_NUM, dtype=jnp.int64 if jax.config.jax_enable_x64 else jnp.int32)
    user_emb = jax.random.normal(k4, (USER_NUM, FACTOR_NUM), dtype=jnp.float32) * 0.01
    item_emb = jax.random.normal(k5, (ITEM_NUM, FACTOR_NUM), dtype=jnp.float32) * 0.01
    return {"user": user, "item_i": item_i, "item_j": item_j, "user_emb": user_emb, "item_emb": item_emb}

def reference(user, item_i, item_j, user_emb, item_emb):
    u = jnp.take(user_emb, user, axis=0)
    vi = jnp.take(item_emb, item_i, axis=0)
    vj = jnp.take(item_emb, item_j, axis=0)
    prediction_i = (u * vi).sum(axis=-1)
    prediction_j = (u * vj).sum(axis=-1)
    return (prediction_i, prediction_j)

if __name__ == "__main__":
    import jax
    _d = setup_inputs()
    print(jax.jit(kernel)(*tuple(_d.values())))

</pallas_src>

<mosaic_0001>
#map = affine_map<(d0, d1) -> (0)>
#map1 = affine_map<(d0, d1) -> (0, 0)>
module attributes {stable_mosaic.version = 14 : i64} {
  func.func @_bpr_kernel(%arg0: i32, %arg1: i32, %arg2: memref<16384xi32, #tpu.memory_space<hbm>>, %arg3: memref<16384xi32, #tpu.memory_space<hbm>>, %arg4: memref<16384xi32, #tpu.memory_space<hbm>>, %arg5: memref<1000000x32xf32, #tpu.memory_space<hbm>>, %arg6: memref<1000000x32xf32, #tpu.memory_space<hbm>>, %arg7: memref<16384xf32, #tpu.memory_space<hbm>>, %arg8: memref<16384xf32, #tpu.memory_space<hbm>>, %arg9: memref<512xi32, #tpu.memory_space<vmem>>, %arg10: memref<512xi32, #tpu.memory_space<vmem>>, %arg11: memref<512xi32, #tpu.memory_space<vmem>>, %arg12: memref<512x32xf32, #tpu.memory_space<vmem>>, %arg13: memref<512x32xf32, #tpu.memory_space<vmem>>, %arg14: memref<512x32xf32, #tpu.memory_space<vmem>>, %arg15: memref<512xf32, #tpu.memory_space<vmem>>, %arg16: memref<512xf32, #tpu.memory_space<vmem>>, %arg17: memref<!tpu.dma_semaphore, #tpu.memory_space<semaphore_mem>>) attributes {dimension_semantics = [#tpu.dimension_semantics<core_parallel>, #tpu.dimension_semantics<subcore_parallel>], iteration_bounds = array<i64: 2, 16>, scalar_prefetch = 0 : i64, scratch_operands = 9 : i64, tpu.core_type = #tpu.core_type<sc_vector_subcore>, window_params = [{transform_indices = #map}, {transform_indices = #map}, {transform_indices = #map}, {transform_indices = #map1}, {transform_indices = #map1}, {transform_indices = #map}, {transform_indices = #map}]} {
    %mul3A = arith.constant 2 : i32
    %mul3A_0 = arith.muli %arg1, %mul3A : i32
    %add3A = arith.addi %mul3A_0, %arg0 : i32
    %mul3A_1 = arith.constant 512 : i32
    %mul3A_2 = arith.muli %add3A, %mul3A_1 : i32
    "tpu.region"() ({
      %run_scoped3A = tpu.sem_alloc : memref<!tpu.dma_semaphore, #tpu.memory_space<semaphore_mem>>
      %dma_start3A_198 = tpu.memref_slice %arg2[%mul3A_2] : memref<16384xi32, #tpu.memory_space<hbm>> -> memref<512xi32, #tpu.memory_space<hbm>>
      %dma_start3A_199 = tpu.memref_slice %arg2[%mul3A_2] : memref<16384xi32, #tpu.memory_space<hbm>> -> memref<512xi32, #tpu.memory_space<hbm>>
      tpu.enqueue_dma source(%dma_start3A_199 : memref<512xi32, #tpu.memory_space<hbm>>) target(%arg9 : memref<512xi32, #tpu.memory_space<vmem>>) target_semaphore(%run_scoped3A : memref<!tpu.dma_semaphore, #tpu.memory_space<semaphore_mem>>)
      %dma_wait3A_200 = tpu.memref_slice %arg2[%mul3A_2] : memref<16384xi32, #tpu.memory_space<hbm>> -> memref<512xi32, #tpu.memory_space<hbm>>
      %dma_wait3A_201 = tpu.memref_slice %arg2[%mul3A_2] : memref<16384xi32, #tpu.memory_space<hbm>> -> memref<512xi32, #tpu.memory_space<hbm>>
      tpu.wait_dma2 semaphore(%run_scoped3A : memref<!tpu.dma_semaphore, #tpu.memory_space<semaphore_mem>>) src(%dma_wait3A_201 : memref<512xi32, #tpu.memory_space<hbm>>) dst(%arg9 : memref<512xi32, #tpu.memory_space<vmem>>)
      tpu.yield
    }) : () -> ()
    "tpu.region"() ({
      %run_scoped3A = tpu.sem_alloc : memref<!tpu.dma_semaphore, #tpu.memory_space<semaphore_mem>>
      %dma_start3A_198 = tpu.memref_slice %arg3[%mul3A_2] : memref<16384xi32, #tpu.memory_space<hbm>> -> memref<512xi32, #tpu.memory_space<hbm>>
      %dma_start3A_199 = tpu.memref_slice %arg3[%mul3A_2] : memref<16384xi32, #tpu.memory_space<hbm>> -> memref<512xi32, #tpu.memory_space<hbm>>
      tpu.enqueue_dma source(%dma_start3A_199 : memref<512xi32, #tpu.memory_space<hbm>>) target(%arg10 : memref<512xi32, #tpu.memory_space<vmem>>) target_semaphore(%run_scoped3A : memref<!tpu.dma_semaphore, #tpu.memory_space<semaphore_mem>>)
      %dma_wait3A_200 = tpu.memref_slice %arg3[%mul3A_2] : memref<16384xi32, #tpu.memory_space<hbm>> -> memref<512xi32, #tpu.memory_space<hbm>>
      %dma_wait3A_201 = tpu.memref_slice %arg3[%mul3A_2] : memref<16384xi32, #tpu.memory_space<hbm>> -> memref<512xi32, #tpu.memory_space<hbm>>
      tpu.wait_dma2 semaphore(%run_scoped3A : memref<!tpu.dma_semaphore, #tpu.memory_space<semaphore_mem>>) src(%dma_wait3A_201 : memref<512xi32, #tpu.memory_space<hbm>>) dst(%arg10 : memref<512xi32, #tpu.memory_space<vmem>>)
      tpu.yield
    }) : () -> ()
    "tpu.region"() ({
      %run_scoped3A = tpu.sem_alloc : memref<!tpu.dma_semaphore, #tpu.memory_space<semaphore_mem>>
      %dma_start3A_198 = tpu.memref_slice %arg4[%mul3A_2] : memref<16384xi32, #tpu.memory_space<hbm>> -> memref<512xi32, #tpu.memory_space<hbm>>
      %dma_start3A_199 = tpu.memref_slice %arg4[%mul3A_2] : memref<16384xi32, #tpu.memory_space<hbm>> -> memref<512xi32, #tpu.memory_space<hbm>>
      tpu.enqueue_dma source(%dma_start3A_199 : memref<512xi32, #tpu.memory_space<hbm>>) target(%arg11 : memref<512xi32, #tpu.memory_space<vmem>>) target_semaphore(%run_scoped3A : memref<!tpu.dma_semaphore, #tpu.memory_space<semaphore_mem>>)
      %dma_wait3A_200 = tpu.memref_slice %arg4[%mul3A_2] : memref<16384xi32, #tpu.memory_space<hbm>> -> memref<512xi32, #tpu.memory_space<hbm>>
      %dma_wait3A_201 = tpu.memref_slice %arg4[%mul3A_2] : memref<16384xi32, #tpu.memory_space<hbm>> -> memref<512xi32, #tpu.memory_space<hbm>>
      tpu.wait_dma2 semaphore(%run_scoped3A : memref<!tpu.dma_semaphore, #tpu.memory_space<semaphore_mem>>) src(%dma_wait3A_201 : memref<512xi32, #tpu.memory_space<hbm>>) dst(%arg11 : memref<512xi32, #tpu.memory_space<vmem>>)
      tpu.yield
    }) : () -> ()
    %dma_start3A = arith.constant 0 : i32
    %dma_start3A_3 = arith.constant 0 : i32
    %dma_start3A_4 = tpu.memref_slice %arg12[%dma_start3A, %dma_start3A_3] : memref<512x32xf32, #tpu.memory_space<vmem>> -> memref<128x32xf32, #tpu.memory_space<vmem>>
    %dma_start3A_5 = arith.constant 0 : i32
    %dma_start3A_6 = tpu.memref_slice %arg9[%dma_start3A_5] : memref<512xi32, #tpu.memory_space<vmem>> -> memref<128xi32, #tpu.memory_space<vmem>>
    %dma_start3A_7 = arith.constant 0 : i32
    %dma_start3A_8 = arith.constant 0 : i32
    %dma_start3A_9 = tpu.memref_slice %arg5[%dma_start3A_7, %dma_start3A_8] : memref<1000000x32xf32, #tpu.memory_space<hbm>> -> memref<1000000x32xf32, #tpu.memory_space<hbm>>
    tpu.enqueue_indirect_dma source(%dma_start3A_9 : memref<1000000x32xf32, #tpu.memory_space<hbm>>) target(%dma_start3A_4 : memref<128x32xf32, #tpu.memory_space<vmem>>) offsets(%dma_start3A_6 : memref<128xi32, #tpu.memory_space<vmem>>) semaphore(%arg17 : memref<!tpu.dma_semaphore, #tpu.memory_space<semaphore_mem>>)
    %dma_start3A_10 = arith.constant 0 : i32
    %dma_start3A_11 = arith.constant 0 : i32
    %dma_start3A_12 = tpu.memref_slice %arg13[%dma_start3A_10, %dma_start3A_11] : memref<512x32xf32, #tpu.memory_space<vmem>> -> memref<128x32xf32, #tpu.memory_space<vmem>>
    %dma_start3A_13 = arith.constant 0 : i32
    %dma_start3A_14 = tpu.memref_slice %arg10[%dma_start3A_13] : memref<512xi32, #tpu.memory_space<vmem>> -> memref<128xi32, #tpu.memory_space<vmem>>
    %dma_start3A_15 = arith.constant 0 : i32
    %dma_start3A_16 = arith.constant 0 : i32
    %dma_start3A_17 = tpu.memref_slice %arg6[%dma_start3A_15, %dma_start3A_16] : memref<1000000x32xf32, #tpu.memory_space<hbm>> -> memref<1000000x32xf32, #tpu.memory_space<hbm>>
    tpu.enqueue_indirect_dma source(%dma_start3A_17 : memref<1000000x32xf32, #tpu.memory_space<hbm>>) target(%dma_start3A_12 : memref<128x32xf32, #tpu.memory_space<vmem>>) offsets(%dma_start3A_14 : memref<128xi32, #tpu.memory_space<vmem>>) semaphore(%arg17 : memref<!tpu.dma_semaphore, #tpu.memory_space<semaphore_mem>>)
    %dma_start3A_18 = arith.constant 0 : i32
    %dma_start3A_19 = arith.constant 0 : i32
    %dma_start3A_20 = tpu.memref_slice %arg14[%dma_start3A_18, %dma_start3A_19] : memref<512x32xf32, #tpu.memory_space<vmem>> -> memref<128x32xf32, #tpu.memory_space<vmem>>
    %dma_start3A_21 = arith.constant 0 : i32
    %dma_start3A_22 = tpu.memref_slice %arg11[%dma_start3A_21] : memref<512xi32, #tpu.memory_space<vmem>> -> memref<128xi32, #tpu.memory_space<vmem>>
    %dma_start3A_23 = arith.constant 0 : i32
    %dma_start3A_24 = arith.constant 0 : i32
    %dma_start3A_25 = tpu.memref_slice %arg6[%dma_start3A_23, %dma_start3A_24] : memref<1000000x32xf32, #tpu.memory_space<hbm>> -> memref<1000000x32xf32, #tpu.memory_space<hbm>>
    tpu.enqueue_indirect_dma source(%dma_start3A_25 : memref<1000000x32xf32, #tpu.memory_space<hbm>>) target(%dma_start3A_20 : memref<128x32xf32, #tpu.memory_space<vmem>>) offsets(%dma_start3A_22 : memref<128xi32, #tpu.memory_space<vmem>>) semaphore(%arg17 : memref<!tpu.dma_semaphore, #tpu.memory_space<semaphore_mem>>)
    %dma_start3A_26 = arith.constant 128 : i32
    %dma_start3A_27 = arith.constant 0 : i32
    %dma_start3A_28 = tpu.memref_slice %arg12[%dma_start3A_26, %dma_start3A_27] : memref<512x32xf32, #tpu.memory_space<vmem>> -> memref<128x32xf32, #tpu.memory_space<vmem>>
    %dma_start3A_29 = arith.constant 128 : i32
    %dma_start3A_30 = tpu.memref_slice %arg9[%dma_start3A_29] : memref<512xi32, #tpu.memory_space<vmem>> -> memref<128xi32, #tpu.memory_space<vmem>>
    %dma_start3A_31 = arith.constant 0 : i32
    %dma_start3A_32 = arith.constant 0 : i32
    %dma_start3A_33 = tpu.memref_slice %arg5[%dma_start3A_31, %dma_start3A_32] : memref<1000000x32xf32, #tpu.memory_space<hbm>> -> memref<1000000x32xf32, #tpu.memory_space<hbm>>
    tpu.enqueue_indirect_dma source(%dma_start3A_33 : memref<1000000x32xf32, #tpu.memory_space<hbm>>) target(%dma_start3A_28 : memref<128x32xf32, #tpu.memory_space<vmem>>) offsets(%dma_start3A_30 : memref<128xi32, #tpu.memory_space<vmem>>) semaphore(%arg17 : memref<!tpu.dma_semaphore, #tpu.memory_space<semaphore_mem>>)
    %dma_start3A_34 = arith.constant 128 : i32
    %dma_start3A_35 = arith.constant 0 : i32
    %dma_start3A_36 = tpu.memref_slice %arg13[%dma_start3A_34, %dma_start3A_35] : memref<512x32xf32, #tpu.memory_space<vmem>> -> memref<128x32xf32, #tpu.memory_space<vmem>>
    %dma_start3A_37 = arith.constant 128 : i32
    %dma_start3A_38 = tpu.memref_slice %arg10[%dma_start3A_37] : memref<512xi32, #tpu.memory_space<vmem>> -> memref<128xi32, #tpu.memory_space<vmem>>
    %dma_start3A_39 = arith.constant 0 : i32
    %dma_start3A_40 = arith.constant 0 : i32
    %dma_start3A_41 = tpu.memref_slice %arg6[%dma_start3A_39, %dma_start3A_40] : memref<1000000x32xf32, #tpu.memory_space<hbm>> -> memref<1000000x32xf32, #tpu.memory_space<hbm>>
    tpu.enqueue_indirect_dma source(%dma_start3A_41 : memref<1000000x32xf32, #tpu.memory_space<hbm>>) target(%dma_start3A_36 : memref<128x32xf32, #tpu.memory_space<vmem>>) offsets(%dma_start3A_38 : memref<128xi32, #tpu.memory_space<vmem>>) semaphore(%arg17 : memref<!tpu.dma_semaphore, #tpu.memory_space<semaphore_mem>>)
    %dma_start3A_42 = arith.constant 128 : i32
    %dma_start3A_43 = arith.constant 0 : i32
    %dma_start3A_44 = tpu.memref_slice %arg14[%dma_start3A_42, %dma_start3A_43] : memref<512x32xf32, #tpu.memory_space<vmem>> -> memref<128x32xf32, #tpu.memory_space<vmem>>
    %dma_start3A_45 = arith.constant 128 : i32
    %dma_start3A_46 = tpu.memref_slice %arg11[%dma_start3A_45] : memref<512xi32, #tpu.memory_space<vmem>> -> memref<128xi32, #tpu.memory_space<vmem>>
    %dma_start3A_47 = arith.constant 0 : i32
    %dma_start3A_48 = arith.constant 0 : i32
    %dma_start3A_49 = tpu.memref_slice %arg6[%dma_start3A_47, %dma_start3A_48] : memref<1000000x32xf32, #tpu.memory_space<hbm>> -> memref<1000000x32xf32, #tpu.memory_space<hbm>>
    tpu.enqueue_indirect_dma source(%dma_start3A_49 : memref<1000000x32xf32, #tpu.memory_space<hbm>>) target(%dma_start3A_44 : memref<128x32xf32, #tpu.memory_space<vmem>>) offsets(%dma_start3A_46 : memref<128xi32, #tpu.memory_space<vmem>>) semaphore(%arg17 : memref<!tpu.dma_semaphore, #tpu.memory_space<semaphore_mem>>)
    %dma_start3A_50 = arith.constant 256 : i32
    %dma_start3A_51 = arith.constant 0 : i32
    %dma_start3A_52 = tpu.memref_slice %arg12[%dma_start3A_50, %dma_start3A_51] : memref<512x32xf32, #tpu.memory_space<vmem>> -> memref<128x32xf32, #tpu.memory_space<vmem>>
    %dma_start3A_53 = arith.constant 256 : i32
    %dma_start3A_54 = tpu.memref_slice %arg9[%dma_start3A_53] : memref<512xi32, #tpu.memory_space<vmem>> -> memref<128xi32, #tpu.memory_space<vmem>>
    %dma_start3A_55 = arith.constant 0 : i32
    %dma_start3A_56 = arith.constant 0 : i32
    %dma_start3A_57 = tpu.memref_slice %arg5[%dma_start3A_55, %dma_start3A_56] : memref<1000000x32xf32, #tpu.memory_space<hbm>> -> memref<1000000x32xf32, #tpu.memory_space<hbm>>
    tpu.enqueue_indirect_dma source(%dma_start3A_57 : memref<1000000x32xf32, #tpu.memory_space<hbm>>) target(%dma_start3A_52 : memref<128x32xf32, #tpu.memory_space<vmem>>) offsets(%dma_start3A_54 : memref<128xi32, #tpu.memory_space<vmem>>) semaphore(%arg17 : memref<!tpu.dma_semaphore, #tpu.memory_space<semaphore_mem>>)
    %dma_start3A_58 = arith.constant 256 : i32
    %dma_start3A_59 = arith.constant 0 : i32
    %dma_start3A_60 = tpu.memref_slice %arg13[%dma_start3A_58, %dma_start3A_59] : memref<512x32xf32, #tpu.memory_space<vmem>> -> memref<128x32xf32, #tpu.memory_space<vmem>>
    %dma_start3A_61 = arith.constant 256 : i32
    %dma_start3A_62 = tpu.memref_slice %arg10[%dma_start3A_61] : memref<512xi32, #tpu.memory_space<vmem>> -> memref<128xi32, #tpu.memory_space<vmem>>
    %dma_start3A_63 = arith.constant 0 : i32
    %dma_start3A_64 = arith.constant 0 : i32
    %dma_start3A_65 = tpu.memref_slice %arg6[%dma_start3A_63, %dma_start3A_64] : memref<1000000x32xf32, #tpu.memory_space<hbm>> -> memref<1000000x32xf32, #tpu.memory_space<hbm>>
    tpu.enqueue_indirect_dma source(%dma_start3A_65 : memref<1000000x32xf32, #tpu.memory_space<hbm>>) target(%dma_start3A_60 : memref<128x32xf32, #tpu.memory_space<vmem>>) offsets(%dma_start3A_62 : memref<128xi32, #tpu.memory_space<vmem>>) semaphore(%arg17 : memref<!tpu.dma_semaphore, #tpu.memory_space<semaphore_mem>>)
    %dma_start3A_66 = arith.constant 256 : i32
    %dma_start3A_67 = arith.constant 0 : i32
    %dma_start3A_68 = tpu.memref_slice %arg14[%dma_start3A_66, %dma_start3A_67] : memref<512x32xf32, #tpu.memory_space<vmem>> -> memref<128x32xf32, #tpu.memory_space<vmem>>
    %dma_start3A_69 = arith.constant 256 : i32
    %dma_start3A_70 = tpu.memref_slice %arg11[%dma_start3A_69] : memref<512xi32, #tpu.memory_space<vmem>> -> memref<128xi32, #tpu.memory_space<vmem>>
    %dma_start3A_71 = arith.constant 0 : i32
    %dma_start3A_72 = arith.constant 0 : i32
    %dma_start3A_73 = tpu.memref_slice %arg6[%dma_start3A_71, %dma_start3A_72] : memref<1000000x32xf32, #tpu.memory_space<hbm>> -> memref<1000000x32xf32, #tpu.memory_space<hbm>>
    tpu.enqueue_indirect_dma source(%dma_start3A_73 : memref<1000000x32xf32, #tpu.memory_space<hbm>>) target(%dma_start3A_68 : memref<128x32xf32, #tpu.memory_space<vmem>>) offsets(%dma_start3A_70 : memref<128xi32, #tpu.memory_space<vmem>>) semaphore(%arg17 : memref<!tpu.dma_semaphore, #tpu.memory_space<semaphore_mem>>)
    %dma_start3A_74 = arith.constant 384 : i32
    %dma_start3A_75 = arith.constant 0 : i32
    %dma_start3A_76 = tpu.memref_slice %arg12[%dma_start3A_74, %dma_start3A_75] : memref<512x32xf32, #tpu.memory_space<vmem>> -> memref<128x32xf32, #tpu.memory_space<vmem>>
    %dma_start3A_77 = arith.constant 384 : i32
    %dma_start3A_78 = tpu.memref_slice %arg9[%dma_start3A_77] : memref<512xi32, #tpu.memory_space<vmem>> -> memref<128xi32, #tpu.memory_space<vmem>>
    %dma_start3A_79 = arith.constant 0 : i32
    %dma_start3A_80 = arith.constant 0 : i32
    %dma_start3A_81 = tpu.memref_slice %arg5[%dma_start3A_79, %dma_start3A_80] : memref<1000000x32xf32, #tpu.memory_space<hbm>> -> memref<1000000x32xf32, #tpu.memory_space<hbm>>
    tpu.enqueue_indirect_dma source(%dma_start3A_81 : memref<1000000x32xf32, #tpu.memory_space<hbm>>) target(%dma_start3A_76 : memref<128x32xf32, #tpu.memory_space<vmem>>) offsets(%dma_start3A_78 : memref<128xi32, #tpu.memory_space<vmem>>) semaphore(%arg17 : memref<!tpu.dma_semaphore, #tpu.memory_space<semaphore_mem>>)
    %dma_start3A_82 = arith.constant 384 : i32
    %dma_start3A_83 = arith.constant 0 : i32
    %dma_start3A_84 = tpu.memref_slice %arg13[%dma_start3A_82, %dma_start3A_83] : memref<512x32xf32, #tpu.memory_space<vmem>> -> memref<128x32xf32, #tpu.memory_space<vmem>>
    %dma_start3A_85 = arith.constant 384 : i32
    %dma_start3A_86 = tpu.memref_slice %arg10[%dma_start3A_85] : memref<512xi32, #tpu.memory_space<vmem>> -> memref<128xi32, #tpu.memory_space<vmem>>
    %dma_start3A_87 = arith.constant 0 : i32
    %dma_start3A_88 = arith.constant 0 : i32
    %dma_start3A_89 = tpu.memref_slice %arg6[%dma_start3A_87, %dma_start3A_88] : memref<1000000x32xf32, #tpu.memory_space<hbm>> -> memref<1000000x32xf32, #tpu.memory_space<hbm>>
    tpu.enqueue_indirect_dma source(%dma_start3A_89 : memref<1000000x32xf32, #tpu.memory_space<hbm>>) target(%dma_start3A_84 : memref<128x32xf32, #tpu.memory_space<vmem>>) offsets(%dma_start3A_86 : memref<128xi32, #tpu.memory_space<vmem>>) semaphore(%arg17 : memref<!tpu.dma_semaphore, #tpu.memory_space<semaphore_mem>>)
    %dma_start3A_90 = arith.constant 384 : i32
    %dma_start3A_91 = arith.constant 0 : i32
    %dma_start3A_92 = tpu.memref_slice %arg14[%dma_start3A_90, %dma_start3A_91] : memref<512x32xf32, #tpu.memory_space<vmem>> -> memref<128x32xf32, #tpu.memory_space<vmem>>
    %dma_start3A_93 = arith.constant 384 : i32
    %dma_start3A_94 = tpu.memref_slice %arg11[%dma_start3A_93] : memref<512xi32, #tpu.memory_space<vmem>> -> memref<128xi32, #tpu.memory_space<vmem>>
    %dma_start3A_95 = arith.constant 0 : i32
    %dma_start3A_96 = arith.constant 0 : i32
    %dma_start3A_97 = tpu.memref_slice %arg6[%dma_start3A_95, %dma_start3A_96] : memref<1000000x32xf32, #tpu.memory_space<hbm>> -> memref<1000000x32xf32, #tpu.memory_space<hbm>>
    tpu.enqueue_indirect_dma source(%dma_start3A_97 : memref<1000000x32xf32, #tpu.memory_space<hbm>>) target(%dma_start3A_92 : memref<128x32xf32, #tpu.memory_space<vmem>>) offsets(%dma_start3A_94 : memref<128xi32, #tpu.memory_space<vmem>>) semaphore(%arg17 : memref<!tpu.dma_semaphore, #tpu.memory_space<semaphore_mem>>)
    %dma_wait3A = arith.constant 0 : i32
    %dma_wait3A_98 = arith.constant 0 : i32
    %dma_wait3A_99 = tpu.memref_slice %arg12[%dma_wait3A, %dma_wait3A_98] : memref<512x32xf32, #tpu.memory_space<vmem>> -> memref<128x32xf32, #tpu.memory_space<vmem>>
    %dma_wait3A_100 = arith.constant 0 : i32
    %dma_wait3A_101 = tpu.memref_slice %arg9[%dma_wait3A_100] : memref<512xi32, #tpu.memory_space<vmem>> -> memref<128xi32, #tpu.memory_space<vmem>>
    %dma_wait3A_102 = arith.constant 0 : i32
    %dma_wait3A_103 = arith.constant 0 : i32
    %dma_wait3A_104 = tpu.memref_slice %arg5[%dma_wait3A_102, %dma_wait3A_103] : memref<1000000x32xf32, #tpu.memory_space<hbm>> -> memref<1000000x32xf32, #tpu.memory_space<hbm>>
    tpu.wait_indirect_dma semaphore(%arg17 : memref<!tpu.dma_semaphore, #tpu.memory_space<semaphore_mem>>) src(%dma_wait3A_104 : memref<1000000x32xf32, #tpu.memory_space<hbm>>) dst(%dma_wait3A_99 : memref<128x32xf32, #tpu.memory_space<vmem>>)
    %dma_wait3A_105 = arith.constant 0 : i32
    %dma_wait3A_106 = arith.constant 0 : i32
    %dma_wait3A_107 = tpu.memref_slice %arg13[%dma_wait3A_105, %dma_wait3A_106] : memref<512x32xf32, #tpu.memory_space<vmem>> -> memref<128x32xf32, #tpu.memory_space<vmem>>
    %dma_wait3A_108 = arith.constant 0 : i32
    %dma_wait3A_109 = tpu.memref_slice %arg10[%dma_wait3A_108] : memref<512xi32, #tpu.memory_space<vmem>> -> memref<128xi32, #tpu.memory_space<vmem>>
    %dma_wait3A_110 = arith.constant 0 : i32
    %dma_wait3A_111 = arith.constant 0 : i32
    %dma_wait3A_112 = tpu.memref_slice %arg6[%dma_wait3A_110, %dma_wait3A_111] : memref<1000000x32xf32, #tpu.memory_space<hbm>> -> memref<1000000x32xf32, #tpu.memory_space<hbm>>
    tpu.wait_indirect_dma semaphore(%arg17 : memref<!tpu.dma_semaphore, #tpu.memory_space<semaphore_mem>>) src(%dma_wait3A_112 : memref<1000000x32xf32, #tpu.memory_space<hbm>>) dst(%dma_wait3A_107 : memref<128x32xf32, #tpu.memory_space<vmem>>)
    %dma_wait3A_113 = arith.constant 0 : i32
    %dma_wait3A_114 = arith.constant 0 : i32
    %dma_wait3A_115 = tpu.memref_slice %arg14[%dma_wait3A_113, %dma_wait3A_114] : memref<512x32xf32, #tpu.memory_space<vmem>> -> memref<128x32xf32, #tpu.memory_space<vmem>>
    %dma_wait3A_116 = arith.constant 0 : i32
    %dma_wait3A_117 = tpu.memref_slice %arg11[%dma_wait3A_116] : memref<512xi32, #tpu.memory_space<vmem>> -> memref<128xi32, #tpu.memory_space<vmem>>
    %dma_wait3A_118 = arith.constant 0 : i32
    %dma_wait3A_119 = arith.constant 0 : i32
    %dma_wait3A_120 = tpu.memref_slice %arg6[%dma_wait3A_118, %dma_wait3A_119] : memref<1000000x32xf32, #tpu.memory_space<hbm>> -> memref<1000000x32xf32, #tpu.memory_space<hbm>>
    tpu.wait_indirect_dma semaphore(%arg17 : memref<!tpu.dma_semaphore, #tpu.memory_space<semaphore_mem>>) src(%dma_wait3A_120 : memref<1000000x32xf32, #tpu.memory_space<hbm>>) dst(%dma_wait3A_115 : memref<128x32xf32, #tpu.memory_space<vmem>>)
    %dma_wait3A_121 = arith.constant 128 : i32
    %dma_wait3A_122 = arith.constant 0 : i32
    %dma_wait3A_123 = tpu.memref_slice %arg12[%dma_wait3A_121, %dma_wait3A_122] : memref<512x32xf32, #tpu.memory_space<vmem>> -> memref<128x32xf32, #tpu.memory_space<vmem>>
    %dma_wait3A_124 = arith.constant 128 : i32
    %dma_wait3A_125 = tpu.memref_slice %arg9[%dma_wait3A_124] : memref<512xi32, #tpu.memory_space<vmem>> -> memref<128xi32, #tpu.memory_space<vmem>>
    %dma_wait3A_126 = arith.constant 0 : i32
    %dma_wait3A_127 = arith.constant 0 : i32
    %dma_wait3A_128 = tpu.memref_slice %arg5[%dma_wait3A_126, %dma_wait3A_127] : memref<1000000x32xf32, #tpu.memory_space<hbm>> -> memref<1000000x32xf32, #tpu.memory_space<hbm>>
    tpu.wait_indirect_dma semaphore(%arg17 : memref<!tpu.dma_semaphore, #tpu.memory_space<semaphore_mem>>) src(%dma_wait3A_128 : memref<1000000x32xf32, #tpu.memory_space<hbm>>) dst(%dma_wait3A_123 : memref<128x32xf32, #tpu.memory_space<vmem>>)
    %dma_wait3A_129 = arith.constant 128 : i32
    %dma_wait3A_130 = arith.constant 0 : i32
    %dma_wait3A_131 = tpu.memref_slice %arg13[%dma_wait3A_129, %dma_wait3A_130] : memref<512x32xf32, #tpu.memory_space<vmem>> -> memref<128x32xf32, #tpu.memory_space<vmem>>
    %dma_wait3A_132 = arith.constant 128 : i32
    %dma_wait3A_133 = tpu.memref_slice %arg10[%dma_wait3A_132] : memref<512xi32, #tpu.memory_space<vmem>> -> memref<128xi32, #tpu.memory_space<vmem>>
    %dma_wait3A_134 = arith.constant 0 : i32
    %dma_wait3A_135 = arith.constant 0 : i32
    %dma_wait3A_136 = tpu.memref_slice %arg6[%dma_wait3A_134, %dma_wait3A_135] : memref<1000000x32xf32, #tpu.memory_space<hbm>> -> memref<1000000x32xf32, #tpu.memory_space<hbm>>
    tpu.wait_indirect_dma semaphore(%arg17 : memref<!tpu.dma_semaphore, #tpu.memory_space<semaphore_mem>>) src(%dma_wait3A_136 : memref<1000000x32xf32, #tpu.memory_space<hbm>>) dst(%dma_wait3A_131 : memref<128x32xf32, #tpu.memory_space<vmem>>)
    %dma_wait3A_137 = arith.constant 128 : i32
    %dma_wait3A_138 = arith.constant 0 : i32
    %dma_wait3A_139 = tpu.memref_slice %arg14[%dma_wait3A_137, %dma_wait3A_138] : memref<512x32xf32, #tpu.memory_space<vmem>> -> memref<128x32xf32, #tpu.memory_space<vmem>>
    %dma_wait3A_140 = arith.constant 128 : i32
    %dma_wait3A_141 = tpu.memref_slice %arg11[%dma_wait3A_140] : memref<512xi32, #tpu.memory_space<vmem>> -> memref<128xi32, #tpu.memory_space<vmem>>
    %dma_wait3A_142 = arith.constant 0 : i32
    %dma_wait3A_143 = arith.constant 0 : i32
    %dma_wait3A_144 = tpu.memref_slice %arg6[%dma_wait3A_142, %dma_wait3A_143] : memref<1000000x32xf32, #tpu.memory_space<hbm>> -> memref<1000000x32xf32, #tpu.memory_space<hbm>>
    tpu.wait_indirect_dma semaphore(%arg17 : memref<!tpu.dma_semaphore, #tpu.memory_space<semaphore_mem>>) src(%dma_wait3A_144 : memref<1000000x32xf32, #tpu.memory_space<hbm>>) dst(%dma_wait3A_139 : memref<128x32xf32, #tpu.memory_space<vmem>>)
    %dma_wait3A_145 = arith.constant 256 : i32
    %dma_wait3A_146 = arith.constant 0 : i32
    %dma_wait3A_147 = tpu.memref_slice %arg12[%dma_wait3A_145, %dma_wait3A_146] : memref<512x32xf32, #tpu.memory_space<vmem>> -> memref<128x32xf32, #tpu.memory_space<vmem>>
    %dma_wait3A_148 = arith.constant 256 : i32
    %dma_wait3A_149 = tpu.memref_slice %arg9[%dma_wait3A_148] : memref<512xi32, #tpu.memory_space<vmem>> -> memref<128xi32, #tpu.memory_space<vmem>>
    %dma_wait3A_150 = arith.constant 0 : i32
    %dma_wait3A_151 = arith.constant 0 : i32
    %dma_wait3A_152 = tpu.memref_slice %arg5[%dma_wait3A_150, %dma_wait3A_151] : memref<1000000x32xf32, #tpu.memory_space<hbm>> -> memref<1000000x32xf32, #tpu.memory_space<hbm>>
    tpu.wait_indirect_dma semaphore(%arg17 : memref<!tpu.dma_semaphore, #tpu.memory_space<semaphore_mem>>) src(%dma_wait3A_152 : memref<1000000x32xf32, #tpu.memory_space<hbm>>) dst(%dma_wait3A_147 : memref<128x32xf32, #tpu.memory_space<vmem>>)
    %dma_wait3A_153 = arith.constant 256 : i32
    %dma_wait3A_154 = arith.constant 0 : i32
    %dma_wait3A_155 = tpu.memref_slice %arg13[%dma_wait3A_153, %dma_wait3A_154] : memref<512x32xf32, #tpu.memory_space<vmem>> -> memref<128x32xf32, #tpu.memory_space<vmem>>
    %dma_wait3A_156 = arith.constant 256 : i32
    %dma_wait3A_157 = tpu.memref_slice %arg10[%dma_wait3A_156] : memref<512xi32, #tpu.memory_space<vmem>> -> memref<128xi32, #tpu.memory_space<vmem>>
    %dma_wait3A_158 = arith.constant 0 : i32
    %dma_wait3A_159 = arith.constant 0 : i32
    %dma_wait3A_160 = tpu.memref_slice %arg6[%dma_wait3A_158, %dma_wait3A_159] : memref<1000000x32xf32, #tpu.memory_space<hbm>> -> memref<1000000x32xf32, #tpu.memory_space<hbm>>
    tpu.wait_indirect_dma semaphore(%arg17 : memref<!tpu.dma_semaphore, #tpu.memory_space<semaphore_mem>>) src(%dma_wait3A_160 : memref<1000000x32xf32, #tpu.memory_space<hbm>>) dst(%dma_wait3A_155 : memref<128x32xf32, #tpu.memory_space<vmem>>)
    %dma_wait3A_161 = arith.constant 256 : i32
    %dma_wait3A_162 = arith.constant 0 : i32
    %dma_wait3A_163 = tpu.memref_slice %arg14[%dma_wait3A_161, %dma_wait3A_162] : memref<512x32xf32, #tpu.memory_space<vmem>> -> memref<128x32xf32, #tpu.memory_space<vmem>>
    %dma_wait3A_164 = arith.constant 256 : i32
    %dma_wait3A_165 = tpu.memref_slice %arg11[%dma_wait3A_164] : memref<512xi32, #tpu.memory_space<vmem>> -> memref<128xi32, #tpu.memory_space<vmem>>
    %dma_wait3A_166 = arith.constant 0 : i32
    %dma_wait3A_167 = arith.constant 0 : i32
    %dma_wait3A_168 = tpu.memref_slice %arg6[%dma_wait3A_166, %dma_wait3A_167] : memref<1000000x32xf32, #tpu.memory_space<hbm>> -> memref<1000000x32xf32, #tpu.memory_space<hbm>>
    tpu.wait_indirect_dma semaphore(%arg17 : memref<!tpu.dma_semaphore, #tpu.memory_space<semaphore_mem>>) src(%dma_wait3A_168 : memref<1000000x32xf32, #tpu.memory_space<hbm>>) dst(%dma_wait3A_163 : memref<128x32xf32, #tpu.memory_space<vmem>>)
    %dma_wait3A_169 = arith.constant 384 : i32
    %dma_wait3A_170 = arith.constant 0 : i32
    %dma_wait3A_171 = tpu.memref_slice %arg12[%dma_wait3A_169, %dma_wait3A_170] : memref<512x32xf32, #tpu.memory_space<vmem>> -> memref<128x32xf32, #tpu.memory_space<vmem>>
    %dma_wait3A_172 = arith.constant 384 : i32
    %dma_wait3A_173 = tpu.memref_slice %arg9[%dma_wait3A_172] : memref<512xi32, #tpu.memory_space<vmem>> -> memref<128xi32, #tpu.memory_space<vmem>>
    %dma_wait3A_174 = arith.constant 0 : i32
    %dma_wait3A_175 = arith.constant 0 : i32
    %dma_wait3A_176 = tpu.memref_slice %arg5[%dma_wait3A_174, %dma_wait3A_175] : memref<1000000x32xf32, #tpu.memory_space<hbm>> -> memref<1000000x32xf32, #tpu.memory_space<hbm>>
    tpu.wait_indirect_dma semaphore(%arg17 : memref<!tpu.dma_semaphore, #tpu.memory_space<semaphore_mem>>) src(%dma_wait3A_176 : memref<1000000x32xf32, #tpu.memory_space<hbm>>) dst(%dma_wait3A_171 : memref<128x32xf32, #tpu.memory_space<vmem>>)
    %dma_wait3A_177 = arith.constant 384 : i32
    %dma_wait3A_178 = arith.constant 0 : i32
    %dma_wait3A_179 = tpu.memref_slice %arg13[%dma_wait3A_177, %dma_wait3A_178] : memref<512x32xf32, #tpu.memory_space<vmem>> -> memref<128x32xf32, #tpu.memory_space<vmem>>
    %dma_wait3A_180 = arith.constant 384 : i32
    %dma_wait3A_181 = tpu.memref_slice %arg10[%dma_wait3A_180] : memref<512xi32, #tpu.memory_space<vmem>> -> memref<128xi32, #tpu.memory_space<vmem>>
    %dma_wait3A_182 = arith.constant 0 : i32
    %dma_wait3A_183 = arith.constant 0 : i32
    %dma_wait3A_184 = tpu.memref_slice %arg6[%dma_wait3A_182, %dma_wait3A_183] : memref<1000000x32xf32, #tpu.memory_space<hbm>> -> memref<1000000x32xf32, #tpu.memory_space<hbm>>
    tpu.wait_indirect_dma semaphore(%arg17 : memref<!tpu.dma_semaphore, #tpu.memory_space<semaphore_mem>>) src(%dma_wait3A_184 : memref<1000000x32xf32, #tpu.memory_space<hbm>>) dst(%dma_wait3A_179 : memref<128x32xf32, #tpu.memory_space<vmem>>)
    %dma_wait3A_185 = arith.constant 384 : i32
    %dma_wait3A_186 = arith.constant 0 : i32
    %dma_wait3A_187 = tpu.memref_slice %arg14[%dma_wait3A_185, %dma_wait3A_186] : memref<512x32xf32, #tpu.memory_space<vmem>> -> memref<128x32xf32, #tpu.memory_space<vmem>>
    %dma_wait3A_188 = arith.constant 384 : i32
    %dma_wait3A_189 = tpu.memref_slice %arg11[%dma_wait3A_188] : memref<512xi32, #tpu.memory_space<vmem>> -> memref<128xi32, #tpu.memory_space<vmem>>
    %dma_wait3A_190 = arith.constant 0 : i32
    %dma_wait3A_191 = arith.constant 0 : i32
    %dma_wait3A_192 = tpu.memref_slice %arg6[%dma_wait3A_190, %dma_wait3A_191] : memref<1000000x32xf32, #tpu.memory_space<hbm>> -> memref<1000000x32xf32, #tpu.memory_space<hbm>>
    tpu.wait_indirect_dma semaphore(%arg17 : memref<!tpu.dma_semaphore, #tpu.memory_space<semaphore_mem>>) src(%dma_wait3A_192 : memref<1000000x32xf32, #tpu.memory_space<hbm>>) dst(%dma_wait3A_187 : memref<128x32xf32, #tpu.memory_space<vmem>>)
    %iota3A = tpu.iota {dimensions = array<i32: 0>} : vector<16xi32>
    %scan3A = arith.constant 0 : i32
    %scan3A_193 = arith.constant 0 : i32
    %scan3A_194 = arith.constant 32 : i32
    %scan3A_195 = arith.addi %scan3A_193, %scan3A_194 : i32
    %scan3A_196 = arith.constant 1 : i32
    scf.for %scan3A_198 = %scan3A_193 to %scan3A_195 step %scan3A_196  : i32 {
      %mul3A_199 = arith.constant 16 : i32
      %mul3A_200 = arith.muli %scan3A_198, %mul3A_199 : i32
      %broadcast_in_dim3A = arith.constant 0.000000e+00 : f32
      %broadcast_in_dim3A_201 = vector.broadcast %broadcast_in_dim3A : f32 to vector<16xf32>
      %broadcast_in_dim3A_202 = arith.constant 0.000000e+00 : f32
      %broadcast_in_dim3A_203 = vector.broadcast %broadcast_in_dim3A_202 : f32 to vector<16xf32>
      %add3A_204 = arith.constant 0 : i32
      %add3A_205 = arith.addi %mul3A_200, %add3A_204 : i32
      %get3A = arith.index_cast %add3A_205 : i32 to index
      %get3A_206 = arith.constant 0 : index
      %get3A_207 = tpu.vector_load %arg12[%get3A, %get3A_206] {strides = array<i32>} : memref<512x32xf32, #tpu.memory_space<vmem>>, vector<16xf32>,
      %get3A_208 = arith.index_cast %add3A_205 : i32 to index
      %get3A_209 = arith.constant 16 : index
      %get3A_210 = tpu.vector_load %arg12[%get3A_208, %get3A_209] {strides = array<i32>} : memref<512x32xf32, #tpu.memory_space<vmem>>, vector<16xf32>,
      %get3A_211 = arith.index_cast %add3A_205 : i32 to index
      %get3A_212 = arith.constant 0 : index
      %get3A_213 = tpu.vector_load %arg13[%get3A_211, %get3A_212] {strides = array<i32>} : memref<512x32xf32, #tpu.memory_space<vmem>>, vector<16xf32>,
      %get3A_214 = arith.index_cast %add3A_205 : i32 to index
      %get3A_215 = arith.constant 16 : index
      %get3A_216 = tpu.vector_load %arg13[%get3A_214, %get3A_215] {strides = array<i32>} : memref<512x32xf32, #tpu.memory_space<vmem>>, vector<16xf32>,
      %get3A_217 = arith.index_cast %add3A_205 : i32 to index
      %get3A_218 = arith.constant 0 : index
      %get3A_219 = tpu.vector_load %arg14[%get3A_217, %get3A_218] {strides = array<i32>} : memref<512x32xf32, #tpu.memory_space<vmem>>, vector<16xf32>,
      %get3A_220 = arith.index_cast %add3A_205 : i32 to index
      %get3A_221 = arith.constant 16 : index
      %get3A_222 = tpu.vector_load %arg14[%get3A_220, %get3A_221] {strides = array<i32>} : memref<512x32xf32, #tpu.memory_space<vmem>>, vector<16xf32>,
      %mul3A_223 = arith.mulf %get3A_207, %get3A_213 : vector<16xf32>
      %mul3A_224 = arith.mulf %get3A_210, %get3A_216 : vector<16xf32>
      %add3A_225 = arith.addf %mul3A_223, %mul3A_224 : vector<16xf32>
      %reduce_sum3A = arith.constant true
      %reduce_sum3A_226 = vector.broadcast %reduce_sum3A : i1 to vector<16xi1>
      %reduce_sum3A_227 = tpu.scan <sum>, %add3A_225 masked %reduce_sum3A_226 : vector<16xf32>, vector<16xi1> -> vector<16xf32>
      %reduce_sum3A_228 = vector.extract %reduce_sum3A_227[15] : f32 from vector<16xf32>
      %mul3A_229 = arith.mulf %get3A_207, %get3A_219 : vector<16xf32>
      %mul3A_230 = arith.mulf %get3A_210, %get3A_222 : vector<16xf32>
      %add3A_231 = arith.addf %mul3A_229, %mul3A_230 : vector<16xf32>
      %reduce_sum3A_232 = arith.constant true
      %reduce_sum3A_233 = vector.broadcast %reduce_sum3A_232 : i1 to vector<16xi1>
      %reduce_sum3A_234 = tpu.scan <sum>, %add3A_231 masked %reduce_sum3A_233 : vector<16xf32>, vector<16xi1> -> vector<16xf32>
      %reduce_sum3A_235 = vector.extract %reduce_sum3A_234[15] : f32 from vector<16xf32>
      %eq3A = arith.constant 0 : i32
      %eq3A_236 = vector.broadcast %eq3A : i32 to vector<16xi32>
      %eq3A_237 = arith.cmpi eq, %iota3A, %eq3A_236 : vector<16xi32>
      %broadcast_in_dim3A_238 = vector.broadcast %reduce_sum3A_228 : f32 to vector<16xf32>
      %select_n3A = arith.select %eq3A_237, %broadcast_in_dim3A_238, %broadcast_in_dim3A_201 : vector<16xi1>, vector<16xf32>
      %broadcast_in_dim3A_239 = vector.broadcast %reduce_sum3A_235 : f32 to vector<16xf32>
      %select_n3A_240 = arith.select %eq3A_237, %broadcast_in_dim3A_239, %broadcast_in_dim3A_203 : vector<16xi1>, vector<16xf32>
      %add3A_241 = arith.constant 1 : i32
      %add3A_242 = arith.addi %mul3A_200, %add3A_241 : i32
      %get3A_243 = arith.index_cast %add3A_242 : i32 to index
      %get3A_244 = arith.constant 0 : index
      %get3A_245 = tpu.vector_load %arg12[%get3A_243, %get3A_244] {strides = array<i32>} : memref<512x32xf32, #tpu.memory_space<vmem>>, vector<16xf32>,
      %get3A_246 = arith.index_cast %add3A_242 : i32 to index
      %get3A_247 = arith.constant 16 : index
      %get3A_248 = tpu.vector_load %arg12[%get3A_246, %get3A_247] {strides = array<i32>} : memref<512x32xf32, #tpu.memory_space<vmem>>, vector<16xf32>,
      %get3A_249 = arith.index_cast %add3A_242 : i32 to index
      %get3A_250 = arith.constant 0 : index
      %get3A_251 = tpu.vector_load %arg13[%get3A_249, %get3A_250] {strides = array<i32>} : memref<512x32xf32, #tpu.memory_space<vmem>>, vector<16xf32>,
      %get3A_252 = arith.index_cast %add3A_242 : i32 to index
      %get3A_253 = arith.constant 16 : index
      %get3A_254 = tpu.vector_load %arg13[%get3A_252, %get3A_253] {strides = array<i32>} : memref<512x32xf32, #tpu.memory_space<vmem>>, vector<16xf32>,
      %get3A_255 = arith.index_cast %add3A_242 : i32 to index
      %get3A_256 = arith.constant 0 : index
      %get3A_257 = tpu.vector_load %arg14[%get3A_255, %get3A_256] {strides = array<i32>} : memref<512x32xf32, #tpu.memory_space<vmem>>, vector<16xf32>,
      %get3A_258 = arith.index_cast %add3A_242 : i32 to index
      %get3A_259 = arith.constant 16 : index
      %get3A_260 = tpu.vector_load %arg14[%get3A_258, %get3A_259] {strides = array<i32>} : memref<512x32xf32, #tpu.memory_space<vmem>>, vector<16xf32>,
      %mul3A_261 = arith.mulf %get3A_245, %get3A_251 : vector<16xf32>
      %mul3A_262 = arith.mulf %get3A_248, %get3A_254 : vector<16xf32>
      %add3A_263 = arith.addf %mul3A_261, %mul3A_262 : vector<16xf32>
      %reduce_sum3A_264 = arith.constant true
      %reduce_sum3A_265 = vector.broadcast %reduce_sum3A_264 : i1 to vector<16xi1>
      %reduce_sum3A_266 = tpu.scan <sum>, %add3A_263 masked %reduce_sum3A_265 : vector<16xf32>, vector<16xi1> -> vector<16xf32>
      %reduce_sum3A_267 = vector.extract %reduce_sum3A_266[15] : f32 from vector<16xf32>
      %mul3A_268 = arith.mulf %get3A_245, %get3A_257 : vector<16xf32>
      %mul3A_269 = arith.mulf %get3A_248, %get3A_260 : vector<16xf32>
      %add3A_270 = arith.addf %mul3A_268, %mul3A_269 : vector<16xf32>
      %reduce_sum3A_271 = arith.constant true
      %reduce_sum3A_272 = vector.broadcast %reduce_sum3A_271 : i1 to vector<16xi1>
      %reduce_sum3A_273 = tpu.scan <sum>, %add3A_270 masked %reduce_sum3A_272 : vector<16xf32>, vector<16xi1> -> vector<16xf32>
      %reduce_sum3A_274 = vector.extract %reduce_sum3A_273[15] : f32 from vector<16xf32>
      %eq3A_275 = arith.constant 1 : i32
      %eq3A_276 = vector.broadcast %eq3A_275 : i32 to vector<16xi32>
      %eq3A_277 = arith.cmpi eq, %iota3A, %eq3A_276 : vector<16xi32>
      %broadcast_in_dim3A_278 = vector.broadcast %reduce_sum3A_267 : f32 to vector<16xf32>
      %select_n3A_279 = arith.select %eq3A_277, %broadcast_in_dim3A_278, %select_n3A : vector<16xi1>, vector<16xf32>
      %broadcast_in_dim3A_280 = vector.broadcast %reduce_sum3A_274 : f32 to vector<16xf32>
      %select_n3A_281 = arith.select %eq3A_277, %broadcast_in_dim3A_280, %select_n3A_240 : vector<16xi1>, vector<16xf32>
      %add3A_282 = arith.constant 2 : i32
      %add3A_283 = arith.addi %mul3A_200, %add3A_282 : i32
      %get3A_284 = arith.index_cast %add3A_283 : i32 to index
      %get3A_285 = arith.constant 0 : index
      %get3A_286 = tpu.vector_load %arg12[%get3A_284, %get3A_285] {strides = array<i32>} : memref<512x32xf32, #tpu.memory_space<vmem>>, vector<16xf32>,
      %get3A_287 = arith.index_cast %add3A_283 : i32 to index
      %get3A_288 = arith.constant 16 : index
      %get3A_289 = tpu.vector_load %arg12[%get3A_287, %get3A_288] {strides = array<i32>} : memref<512x32xf32, #tpu.memory_space<vmem>>, vector<16xf32>,
      %get3A_290 = arith.index_cast %add3A_283 : i32 to index
      %get3A_291 = arith.constant 0 : index
      %get3A_292 = tpu.vector_load %arg13[%get3A_290, %get3A_291] {strides = array<i32>} : memref<512x32xf32, #tpu.memory_space<vmem>>, vector<16xf32>,
      %get3A_293 = arith.index_cast %add3A_283 : i32 to index
      %get3A_294 = arith.constant 16 : index
      %get3A_295 = tpu.vector_load %arg13[%get3A_293, %get3A_294] {strides = array<i32>} : memref<512x32xf32, #tpu.memory_space<vmem>>, vector<16xf32>,
      %get3A_296 = arith.index_cast %add3A_283 : i32 to index
      %get3A_297 = arith.constant 0 : index
      %get3A_298 = tpu.vector_load %arg14[%get3A_296, %get3A_297] {strides = array<i32>} : memref<512x32xf32, #tpu.memory_space<vmem>>, vector<16xf32>,
      %get3A_299 = arith.index_cast %add3A_283 : i32 to index
      %get3A_300 = arith.constant 16 : index
      %get3A_301 = tpu.vector_load %arg14[%get3A_299, %get3A_300] {strides = array<i32>} : memref<512x32xf32, #tpu.memory_space<vmem>>, vector<16xf32>,
      %mul3A_302 = arith.mulf %get3A_286, %get3A_292 : vector<16xf32>
      %mul3A_303 = arith.mulf %get3A_289, %get3A_295 : vector<16xf32>
      %add3A_304 = arith.addf %mul3A_302, %mul3A_303 : vector<16xf32>
      %reduce_sum3A_305 = arith.constant true
      %reduce_sum3A_306 = vector.broadcast %reduce_sum3A_305 : i1 to vector<16xi1>
      %reduce_sum3A_307 = tpu.scan <sum>, %add3A_304 masked %reduce_sum3A_306 : vector<16xf32>, vector<16xi1> -> vector<16xf32>
      %reduce_sum3A_308 = vector.extract %reduce_sum3A_307[15] : f32 from vector<16xf32>
      %mul3A_309 = arith.mulf %get3A_286, %get3A_298 : vector<16xf32>
      %mul3A_310 = arith.mulf %get3A_289, %get3A_301 : vector<16xf32>
      %add3A_311 = arith.addf %mul3A_309, %mul3A_310 : vector<16xf32>
      %reduce_sum3A_312 = arith.constant true
      %reduce_sum3A_313 = vector.broadcast %reduce_sum3A_312 : i1 to vector<16xi1>
      %reduce_sum3A_314 = tpu.scan <sum>, %add3A_311 masked %reduce_sum3A_313 : vector<16xf32>, vector<16xi1> -> vector<16xf32>
      %reduce_sum3A_315 = vector.extract %reduce_sum3A_314[15] : f32 from vector<16xf32>
      %eq3A_316 = arith.constant 2 : i32
      %eq3A_317 = vector.broadcast %eq3A_316 : i32 to vector<16xi32>
      %eq3A_318 = arith.cmpi eq, %iota3A, %eq3A_317 : vector<16xi32>
      %broadcast_in_dim3A_319 = vector.broadcast %reduce_sum3A_308 : f32 to vector<16xf32>
      %select_n3A_320 = arith.select %eq3A_318, %broadcast_in_dim3A_319, %select_n3A_279 : vector<16xi1>, vector<16xf32>
      %broadcast_in_dim3A_321 = vector.broadcast %reduce_sum3A_315 : f32 to vector<16xf32>
      %select_n3A_322 = arith.select %eq3A_318, %broadcast_in_dim3A_321, %select_n3A_281 : vector<16xi1>, vector<16xf32>
      %add3A_323 = arith.constant 3 : i32
      %add3A_324 = arith.addi %mul3A_200, %add3A_323 : i32
      %get3A_325 = arith.index_cast %add3A_324 : i32 to index
      %get3A_326 = arith.constant 0 : index
      %get3A_327 = tpu.vector_load %arg12[%get3A_325, %get3A_326] {strides = array<i32>} : memref<512x32xf32, #tpu.memory_space<vmem>>, vector<16xf32>,
      %get3A_328 = arith.index_cast %add3A_324 : i32 to index
      %get3A_329 = arith.constant 16 : index
      %get3A_330 = tpu.vector_load %arg12[%get3A_328, %get3A_329] {strides = array<i32>} : memref<512x32xf32, #tpu.memory_space<vmem>>, vector<16xf32>,
      %get3A_331 = arith.index_cast %add3A_324 : i32 to index
      %get3A_332 = arith.constant 0 : index
      %get3A_333 = tpu.vector_load %arg13[%get3A_331, %get3A_332] {strides = array<i32>} : memref<512x32xf32, #tpu.memory_space<vmem>>, vector<16xf32>,
      %get3A_334 = arith.index_cast %add3A_324 : i32 to index
      %get3A_335 = arith.constant 16 : index
      %get3A_336 = tpu.vector_load %arg13[%get3A_334, %get3A_335] {strides = array<i32>} : memref<512x32xf32, #tpu.memory_space<vmem>>, vector<16xf32>,
      %get3A_337 = arith.index_cast %add3A_324 : i32 to index
      %get3A_338 = arith.constant 0 : index
      %get3A_339 = tpu.vector_load %arg14[%get3A_337, %get3A_338] {strides = array<i32>} : memref<512x32xf32, #tpu.memory_space<vmem>>, vector<16xf32>,
      %get3A_340 = arith.index_cast %add3A_324 : i32 to index
      %get3A_341 = arith.constant 16 : index
      %get3A_342 = tpu.vector_load %arg14[%get3A_340, %get3A_341] {strides = array<i32>} : memref<512x32xf32, #tpu.memory_space<vmem>>, vector<16xf32>,
      %mul3A_343 = arith.mulf %get3A_327, %get3A_333 : vector<16xf32>
      %mul3A_344 = arith.mulf %get3A_330, %get3A_336 : vector<16xf32>
      %add3A_345 = arith.addf %mul3A_343, %mul3A_344 : vector<16xf32>
      %reduce_sum3A_346 = arith.constant true
      %reduce_sum3A_347 = vector.broadcast %reduce_sum3A_346 : i1 to vector<16xi1>
      %reduce_sum3A_348 = tpu.scan <sum>, %add3A_345 masked %reduce_sum3A_347 : vector<16xf32>, vector<16xi1> -> vector<16xf32>
      %reduce_sum3A_349 = vector.extract %reduce_sum3A_348[15] : f32 from vector<16xf32>
      %mul3A_350 = arith.mulf %get3A_327, %get3A_339 : vector<16xf32>
      %mul3A_351 = arith.mulf %get3A_330, %get3A_342 : vector<16xf32>
      %add3A_352 = arith.addf %mul3A_350, %mul3A_351 : vector<16xf32>
      %reduce_sum3A_353 = arith.constant true
      %reduce_sum3A_354 = vector.broadcast %reduce_sum3A_353 : i1 to vector<16xi1>
      %reduce_sum3A_355 = tpu.scan <sum>, %add3A_352 masked %reduce_sum3A_354 : vector<16xf32>, vector<16xi1> -> vector<16xf32>
      %reduce_sum3A_356 = vector.extract %reduce_sum3A_355[15] : f32 from vector<16xf32>
      %eq3A_357 = arith.constant 3 : i32
      %eq3A_358 = vector.broadcast %eq3A_357 : i32 to vector<16xi32>
      %eq3A_359 = arith.cmpi eq, %iota3A, %eq3A_358 : vector<16xi32>
      %broadcast_in_dim3A_360 = vector.broadcast %reduce_sum3A_349 : f32 to vector<16xf32>
      %select_n3A_361 = arith.select %eq3A_359, %broadcast_in_dim3A_360, %select_n3A_320 : vector<16xi1>, vector<16xf32>
      %broadcast_in_dim3A_362 = vector.broadcast %reduce_sum3A_356 : f32 to vector<16xf32>
      %select_n3A_363 = arith.select %eq3A_359, %broadcast_in_dim3A_362, %select_n3A_322 : vector<16xi1>, vector<16xf32>
      %add3A_364 = arith.constant 4 : i32
      %add3A_365 = arith.addi %mul3A_200, %add3A_364 : i32
      %get3A_366 = arith.index_cast %add3A_365 : i32 to index
      %get3A_367 = arith.constant 0 : index
      %get3A_368 = tpu.vector_load %arg12[%get3A_366, %get3A_367] {strides = array<i32>} : memref<512x32xf32, #tpu.memory_space<vmem>>, vector<16xf32>,
      %get3A_369 = arith.index_cast %add3A_365 : i32 to index
      %get3A_370 = arith.constant 16 : index
      %get3A_371 = tpu.vector_load %arg12[%get3A_369, %get3A_370] {strides = array<i32>} : memref<512x32xf32, #tpu.memory_space<vmem>>, vector<16xf32>,
      %get3A_372 = arith.index_cast %add3A_365 : i32 to index
      %get3A_373 = arith.constant 0 : index
      %get3A_374 = tpu.vector_load %arg13[%get3A_372, %get3A_373] {strides = array<i32>} : memref<512x32xf32, #tpu.memory_space<vmem>>, vector<16xf32>,
      %get3A_375 = arith.index_cast %add3A_365 : i32 to index
      %get3A_376 = arith.constant 16 : index
      %get3A_377 = tpu.vector_load %arg13[%get3A_375, %get3A_376] {strides = array<i32>} : memref<512x32xf32, #tpu.memory_space<vmem>>, vector<16xf32>,
      %get3A_378 = arith.index_cast %add3A_365 : i32 to index
      %get3A_379 = arith.constant 0 : index
      %get3A_380 = tpu.vector_load %arg14[%get3A_378, %get3A_379] {strides = array<i32>} : memref<512x32xf32, #tpu.memory_space<vmem>>, vector<16xf32>,
      %get3A_381 = arith.index_cast %add3A_365 : i32 to index
      %get3A_382 = arith.constant 16 : index
      %get3A_383 = tpu.vector_load %arg14[%get3A_381, %get3A_382] {strides = array<i32>} : memref<512x32xf32, #tpu.memory_space<vmem>>, vector<16xf32>,
      %mul3A_384 = arith.mulf %get3A_368, %get3A_374 : vector<16xf32>
      %mul3A_385 = arith.mulf %get3A_371, %get3A_377 : vector<16xf32>
      %add3A_386 = arith.addf %mul3A_384, %mul3A_385 : vector<16xf32>
      %reduce_sum3A_387 = arith.constant true
      %reduce_sum3A_388 = vector.broadcast %reduce_sum3A_387 : i1 to vector<16xi1>
      %reduce_sum3A_389 = tpu.scan <sum>, %add3A_386 masked %reduce_sum3A_388 : vector<16xf32>, vector<16xi1> -> vector<16xf32>
      %reduce_sum3A_390 = vector.extract %reduce_sum3A_389[15] : f32 from vector<16xf32>
      %mul3A_391 = arith.mulf %get3A_368, %get3A_380 : vector<16xf32>
      %mul3A_392 = arith.mulf %get3A_371, %get3A_383 : vector<16xf32>
      %add3A_393 = arith.addf %mul3A_391, %mul3A_392 : vector<16xf32>
      %reduce_sum3A_394 = arith.constant true
      %reduce_sum3A_395 = vector.broadcast %reduce_sum3A_394 : i1 to vector<16xi1>
      %reduce_sum3A_396 = tpu.scan <sum>, %add3A_393 masked %reduce_sum3A_395 : vector<16xf32>, vector<16xi1> -> vector<16xf32>
      %reduce_sum3A_397 = vector.extract %reduce_sum3A_396[15] : f32 from vector<16xf32>
      %eq3A_398 = arith.constant 4 : i32
      %eq3A_399 = vector.broadcast %eq3A_398 : i32 to vector<16xi32>
      %eq3A_400 = arith.cmpi eq, %iota3A, %eq3A_399 : vector<16xi32>
      %broadcast_in_dim3A_401 = vector.broadcast %reduce_sum3A_390 : f32 to vector<16xf32>
      %select_n3A_402 = arith.select %eq3A_400, %broadcast_in_dim3A_401, %select_n3A_361 : vector<16xi1>, vector<16xf32>
      %broadcast_in_dim3A_403 = vector.broadcast %reduce_sum3A_397 : f32 to vector<16xf32>
      %select_n3A_404 = arith.select %eq3A_400, %broadcast_in_dim3A_403, %select_n3A_363 : vector<16xi1>, vector<16xf32>
      %add3A_405 = arith.constant 5 : i32
      %add3A_406 = arith.addi %mul3A_200, %add3A_405 : i32
      %get3A_407 = arith.index_cast %add3A_406 : i32 to index
      %get3A_408 = arith.constant 0 : index
      %get3A_409 = tpu.vector_load %arg12[%get3A_407, %get3A_408] {strides = array<i32>} : memref<512x32xf32, #tpu.memory_space<vmem>>, vector<16xf32>,
      %get3A_410 = arith.index_cast %add3A_406 : i32 to index
      %get3A_411 = arith.constant 16 : index
      %get3A_412 = tpu.vector_load %arg12[%get3A_410, %get3A_411] {strides = array<i32>} : memref<512x32xf32, #tpu.memory_space<vmem>>, vector<16xf32>,
      %get3A_413 = arith.index_cast %add3A_406 : i32 to index
      %get3A_414 = arith.constant 0 : index
      %get3A_415 = tpu.vector_load %arg13[%get3A_413, %get3A_414] {strides = array<i32>} : memref<512x32xf32, #tpu.memory_space<vmem>>, vector<16xf32>,
      %get3A_416 = arith.index_cast %add3A_406 : i32 to index
      %get3A_417 = arith.constant 16 : index
      %get3A_418 = tpu.vector_load %arg13[%get3A_416, %get3A_417] {strides = array<i32>} : memref<512x32xf32, #tpu.memory_space<vmem>>, vector<16xf32>,
      %get3A_419 = arith.index_cast %add3A_406 : i32 to index
      %get3A_420 = arith.constant 0 : index
      %get3A_421 = tpu.vector_load %arg14[%get3A_419, %get3A_420] {strides = array<i32>} : memref<512x32xf32, #tpu.memory_space<vmem>>, vector<16xf32>,
      %get3A_422 = arith.index_cast %add3A_406 : i32 to index
      %get3A_423 = arith.constant 16 : index
      %get3A_424 = tpu.vector_load %arg14[%get3A_422, %get3A_423] {strides = array<i32>} : memref<512x32xf32, #tpu.memory_space<vmem>>, vector<16xf32>,
      %mul3A_425 = arith.mulf %get3A_409, %get3A_415 : vector<16xf32>
      %mul3A_426 = arith.mulf %get3A_412, %get3A_418 : vector<16xf32>
      %add3A_427 = arith.addf %mul3A_425, %mul3A_426 : vector<16xf32>
      %reduce_sum3A_428 = arith.constant true
      %reduce_sum3A_429 = vector.broadcast %reduce_sum3A_428 : i1 to vector<16xi1>
      %reduce_sum3A_430 = tpu.scan <sum>, %add3A_427 masked %reduce_sum3A_429 : vector<16xf32>, vector<16xi1> -> vector<16xf32>
      %reduce_sum3A_431 = vector.extract %reduce_sum3A_430[15] : f32 from vector<16xf32>
      %mul3A_432 = arith.mulf %get3A_409, %get3A_421 : vector<16xf32>
      %mul3A_433 = arith.mulf %get3A_412, %get3A_424 : vector<16xf32>
      %add3A_434 = arith.addf %mul3A_432, %mul3A_433 : vector<16xf32>
      %reduce_sum3A_435 = arith.constant true
      %reduce_sum3A_436 = vector.broadcast %reduce_sum3A_435 : i1 to vector<16xi1>
      %reduce_sum3A_437 = tpu.scan <sum>, %add3A_434 masked %reduce_sum3A_436 : vector<16xf32>, vector<16xi1> -> vector<16xf32>
      %reduce_sum3A_438 = vector.extract %reduce_sum3A_437[15] : f32 from vector<16xf32>
      %eq3A_439 = arith.constant 5 : i32
      %eq3A_440 = vector.broadcast %eq3A_439 : i32 to vector<16xi32>
      %eq3A_441 = arith.cmpi eq, %iota3A, %eq3A_440 : vector<16xi32>
      %broadcast_in_dim3A_442 = vector.broadcast %reduce_sum3A_431 : f32 to vector<16xf32>
      %select_n3A_443 = arith.select %eq3A_441, %broadcast_in_dim3A_442, %select_n3A_402 : vector<16xi1>, vector<16xf32>
      %broadcast_in_dim3A_444 = vector.broadcast %reduce_sum3A_438 : f32 to vector<16xf32>
      %select_n3A_445 = arith.select %eq3A_441, %broadcast_in_dim3A_444, %select_n3A_404 : vector<16xi1>, vector<16xf32>
      %add3A_446 = arith.constant 6 : i32
      %add3A_447 = arith.addi %mul3A_200, %add3A_446 : i32
      %get3A_448 = arith.index_cast %add3A_447 : i32 to index
      %get3A_449 = arith.constant 0 : index
      %get3A_450 = tpu.vector_load %arg12[%get3A_448, %get3A_449] {strides = array<i32>} : memref<512x32xf32, #tpu.memory_space<vmem>>, vector<16xf32>,
      %get3A_451 = arith.index_cast %add3A_447 : i32 to index
      %get3A_452 = arith.constant 16 : index
      %get3A_453 = tpu.vector_load %arg12[%get3A_451, %get3A_452] {strides = array<i32>} : memref<512x32xf32, #tpu.memory_space<vmem>>, vector<16xf32>,
      %get3A_454 = arith.index_cast %add3A_447 : i32 to index
      %get3A_455 = arith.constant 0 : index
      %get3A_456 = tpu.vector_load %arg13[%get3A_454, %get3A_455] {strides = array<i32>} : memref<512x32xf32, #tpu.memory_space<vmem>>, vector<16xf32>,
      %get3A_457 = arith.index_cast %add3A_447 : i32 to index
      %get3A_458 = arith.constant 16 : index
      %get3A_459 = tpu.vector_load %arg13[%get3A_457, %get3A_458] {strides = array<i32>} : memref<512x32xf32, #tpu.memory_space<vmem>>, vector<16xf32>,
      %get3A_460 = arith.index_cast %add3A_447 : i32 to index
      %get3A_461 = arith.constant 0 : index
      %get3A_462 = tpu.vector_load %arg14[%get3A_460, %get3A_461] {strides = array<i32>} : memref<512x32xf32, #tpu.memory_space<vmem>>, vector<16xf32>,
      %get3A_463 = arith.index_cast %add3A_447 : i32 to index
      %get3A_464 = arith.constant 16 : index
      %get3A_465 = tpu.vector_load %arg14[%get3A_463, %get3A_464] {strides = array<i32>} : memref<512x32xf32, #tpu.memory_space<vmem>>, vector<16xf32>,
      %mul3A_466 = arith.mulf %get3A_450, %get3A_456 : vector<16xf32>
      %mul3A_467 = arith.mulf %get3A_453, %get3A_459 : vector<16xf32>
      %add3A_468 = arith.addf %mul3A_466, %mul3A_467 : vector<16xf32>
      %reduce_sum3A_469 = arith.constant true
      %reduce_sum3A_470 = vector.broadcast %reduce_sum3A_469 : i1 to vector<16xi1>
      %reduce_sum3A_471 = tpu.scan <sum>, %add3A_468 masked %reduce_sum3A_470 : vector<16xf32>, vector<16xi1> -> vector<16xf32>
      %reduce_sum3A_472 = vector.extract %reduce_sum3A_471[15] : f32 from vector<16xf32>
      %mul3A_473 = arith.mulf %get3A_450, %get3A_462 : vector<16xf32>
      %mul3A_474 = arith.mulf %get3A_453, %get3A_465 : vector<16xf32>
      %add3A_475 = arith.addf %mul3A_473, %mul3A_474 : vector<16xf32>
      %reduce_sum3A_476 = arith.constant true
      %reduce_sum3A_477 = vector.broadcast %reduce_sum3A_476 : i1 to vector<16xi1>
      %reduce_sum3A_478 = tpu.scan <sum>, %add3A_475 masked %reduce_sum3A_477 : vector<16xf32>, vector<16xi1> -> vector<16xf32>
      %reduce_sum3A_479 = vector.extract %reduce_sum3A_478[15] : f32 from vector<16xf32>
      %eq3A_480 = arith.constant 6 : i32
      %eq3A_481 = vector.broadcast %eq3A_480 : i32 to vector<16xi32>
      %eq3A_482 = arith.cmpi eq, %iota3A, %eq3A_481 : vector<16xi32>
      %broadcast_in_dim3A_483 = vector.broadcast %reduce_sum3A_472 : f32 to vector<16xf32>
      %select_n3A_484 = arith.select %eq3A_482, %broadcast_in_dim3A_483, %select_n3A_443 : vector<16xi1>, vector<16xf32>
      %broadcast_in_dim3A_485 = vector.broadcast %reduce_sum3A_479 : f32 to vector<16xf32>
      %select_n3A_486 = arith.select %eq3A_482, %broadcast_in_dim3A_485, %select_n3A_445 : vector<16xi1>, vector<16xf32>
      %add3A_487 = arith.constant 7 : i32
      %add3A_488 = arith.addi %mul3A_200, %add3A_487 : i32
      %get3A_489 = arith.index_cast %add3A_488 : i32 to index
      %get3A_490 = arith.constant 0 : index
      %get3A_491 = tpu.vector_load %arg12[%get3A_489, %get3A_490] {strides = array<i32>} : memref<512x32xf32, #tpu.memory_space<vmem>>, vector<16xf32>,
      %get3A_492 = arith.index_cast %add3A_488 : i32 to index
      %get3A_493 = arith.constant 16 : index
      %get3A_494 = tpu.vector_load %arg12[%get3A_492, %get3A_493] {strides = array<i32>} : memref<512x32xf32, #tpu.memory_space<vmem>>, vector<16xf32>,
      %get3A_495 = arith.index_cast %add3A_488 : i32 to index
      %get3A_496 = arith.constant 0 : index
      %get3A_497 = tpu.vector_load %arg13[%get3A_495, %get3A_496] {strides = array<i32>} : memref<512x32xf32, #tpu.memory_space<vmem>>, vector<16xf32>,
      %get3A_498 = arith.index_cast %add3A_488 : i32 to index
      %get3A_499 = arith.constant 16 : index
      %get3A_500 = tpu.vector_load %arg13[%get3A_498, %get3A_499] {strides = array<i32>} : memref<512x32xf32, #tpu.memory_space<vmem>>, vector<16xf32>,
      %get3A_501 = arith.index_cast %add3A_488 : i32 to index
      %get3A_502 = arith.constant 0 : index
      %get3A_503 = tpu.vector_load %arg14[%get3A_501, %get3A_502] {strides = array<i32>} : memref<512x32xf32, #tpu.memory_space<vmem>>, vector<16xf32>,
      %get3A_504 = arith.index_cast %add3A_488 : i32 to index
      %get3A_505 = arith.constant 16 : index
      %get3A_506 = tpu.vector_load %arg14[%get3A_504, %get3A_505] {strides = array<i32>} : memref<512x32xf32, #tpu.memory_space<vmem>>, vector<16xf32>,
      %mul3A_507 = arith.mulf %get3A_491, %get3A_497 : vector<16xf32>
      %mul3A_508 = arith.mulf %get3A_494, %get3A_500 : vector<16xf32>
      %add3A_509 = arith.addf %mul3A_507, %mul3A_508 : vector<16xf32>
      %reduce_sum3A_510 = arith.constant true
      %reduce_sum3A_511 = vector.broadcast %reduce_sum3A_510 : i1 to vector<16xi1>
      %reduce_sum3A_512 = tpu.scan <sum>, %add3A_509 masked %reduce_sum3A_511 : vector<16xf32>, vector<16xi1> -> vector<16xf32>
      %reduce_sum3A_513 = vector.extract %reduce_sum3A_512[15] : f32 from vector<16xf32>
      %mul3A_514 = arith.mulf %get3A_491, %get3A_503 : vector<16xf32>
      %mul3A_515 = arith.mulf %get3A_494, %get3A_506 : vector<16xf32>
      %add3A_516 = arith.addf %mul3A_514, %mul3A_515 : vector<16xf32>
      %reduce_sum3A_517 = arith.constant true
      %reduce_sum3A_518 = vector.broadcast %reduce_sum3A_517 : i1 to vector<16xi1>
      %reduce_sum3A_519 = tpu.scan <sum>, %add3A_516 masked %reduce_sum3A_518 : vector<16xf32>, vector<16xi1> -> vector<16xf32>
      %reduce_sum3A_520 = vector.extract %reduce_sum3A_519[15] : f32 from vector<16xf32>
      %eq3A_521 = arith.constant 7 : i32
      %eq3A_522 = vector.broadcast %eq3A_521 : i32 to vector<16xi32>
      %eq3A_523 = arith.cmpi eq, %iota3A, %eq3A_522 : vector<16xi32>
      %broadcast_in_dim3A_524 = vector.broadcast %reduce_sum3A_513 : f32 to vector<16xf32>
      %select_n3A_525 = arith.select %eq3A_523, %broadcast_in_dim3A_524, %select_n3A_484 : vector<16xi1>, vector<16xf32>
      %broadcast_in_dim3A_526 = vector.broadcast %reduce_sum3A_520 : f32 to vector<16xf32>
      %select_n3A_527 = arith.select %eq3A_523, %broadcast_in_dim3A_526, %select_n3A_486 : vector<16xi1>, vector<16xf32>
      %add3A_528 = arith.constant 8 : i32
      %add3A_529 = arith.addi %mul3A_200, %add3A_528 : i32
      %get3A_530 = arith.index_cast %add3A_529 : i32 to index
      %get3A_531 = arith.constant 0 : index
      %get3A_532 = tpu.vector_load %arg12[%get3A_530, %get3A_531] {strides = array<i32>} : memref<512x32xf32, #tpu.memory_space<vmem>>, vector<16xf32>,
      %get3A_533 = arith.index_cast %add3A_529 : i32 to index
      %get3A_534 = arith.constant 16 : index
      %get3A_535 = tpu.vector_load %arg12[%get3A_533, %get3A_534] {strides = array<i32>} : memref<512x32xf32, #tpu.memory_space<vmem>>, vector<16xf32>,
      %get3A_536 = arith.index_cast %add3A_529 : i32 to index
      %get3A_537 = arith.constant 0 : index
      %get3A_538 = tpu.vector_load %arg13[%get3A_536, %get3A_537] {strides = array<i32>} : memref<512x32xf32, #tpu.memory_space<vmem>>, vector<16xf32>,
      %get3A_539 = arith.index_cast %add3A_529 : i32 to index
      %get3A_540 = arith.constant 16 : index
      %get3A_541 = tpu.vector_load %arg13[%get3A_539, %get3A_540] {strides = array<i32>} : memref<512x32xf32, #tpu.memory_space<vmem>>, vector<16xf32>,
      %get3A_542 = arith.index_cast %add3A_529 : i32 to index
      %get3A_543 = arith.constant 0 : index
      %get3A_544 = tpu.vector_load %arg14[%get3A_542, %get3A_543] {strides = array<i32>} : memref<512x32xf32, #tpu.memory_space<vmem>>, vector<16xf32>,
      %get3A_545 = arith.index_cast %add3A_529 : i32 to index
      %get3A_546 = arith.constant 16 : index
      %get3A_547 = tpu.vector_load %arg14[%get3A_545, %get3A_546] {strides = array<i32>} : memref<512x32xf32, #tpu.memory_space<vmem>>, vector<16xf32>,
      %mul3A_548 = arith.mulf %get3A_532, %get3A_538 : vector<16xf32>
      %mul3A_549 = arith.mulf %get3A_535, %get3A_541 : vector<16xf32>
      %add3A_550 = arith.addf %mul3A_548, %mul3A_549 : vector<16xf32>
      %reduce_sum3A_551 = arith.constant true
      %reduce_sum3A_552 = vector.broadcast %reduce_sum3A_551 : i1 to vector<16xi1>
      %reduce_sum3A_553 = tpu.scan <sum>, %add3A_550 masked %reduce_sum3A_552 : vector<16xf32>, vector<16xi1> -> vector<16xf32>
      %reduce_sum3A_554 = vector.extract %reduce_sum3A_553[15] : f32 from vector<16xf32>
      %mul3A_555 = arith.mulf %get3A_532, %get3A_544 : vector<16xf32>
      %mul3A_556 = arith.mulf %get3A_535, %get3A_547 : vector<16xf32>
      %add3A_557 = arith.addf %mul3A_555, %mul3A_556 : vector<16xf32>
      %reduce_sum3A_558 = arith.constant true
      %reduce_sum3A_559 = vector.broadcast %reduce_sum3A_558 : i1 to vector<16xi1>
      %reduce_sum3A_560 = tpu.scan <sum>, %add3A_557 masked %reduce_sum3A_559 : vector<16xf32>, vector<16xi1> -> vector<16xf32>
      %reduce_sum3A_561 = vector.extract %reduce_sum3A_560[15] : f32 from vector<16xf32>
      %eq3A_562 = arith.constant 8 : i32
      %eq3A_563 = vector.broadcast %eq3A_562 : i32 to vector<16xi32>
      %eq3A_564 = arith.cmpi eq, %iota3A, %eq3A_563 : vector<16xi32>
      %broadcast_in_dim3A_565 = vector.broadcast %reduce_sum3A_554 : f32 to vector<16xf32>
      %select_n3A_566 = arith.select %eq3A_564, %broadcast_in_dim3A_565, %select_n3A_525 : vector<16xi1>, vector<16xf32>
      %broadcast_in_dim3A_567 = vector.broadcast %reduce_sum3A_561 : f32 to vector<16xf32>
      %select_n3A_568 = arith.select %eq3A_564, %broadcast_in_dim3A_567, %select_n3A_527 : vector<16xi1>, vector<16xf32>
      %add3A_569 = arith.constant 9 : i32
      %add3A_570 = arith.addi %mul3A_200, %add3A_569 : i32
      %get3A_571 = arith.index_cast %add3A_570 : i32 to index
      %get3A_572 = arith.constant 0 : index
      %get3A_573 = tpu.vector_load %arg12[%get3A_571, %get3A_572] {strides = array<i32>} : memref<512x32xf32, #tpu.memory_space<vmem>>, vector<16xf32>,
      %get3A_574 = arith.index_cast %add3A_570 : i32 to index
      %get3A_575 = arith.constant 16 : index
      %get3A_576 = tpu.vector_load %arg12[%get3A_574, %get3A_575] {strides = array<i32>} : memref<512x32xf32, #tpu.memory_space<vmem>>, vector<16xf32>,
      %get3A_577 = arith.index_cast %add3A_570 : i32 to index
      %get3A_578 = arith.constant 0 : index
      %get3A_579 = tpu.vector_load %arg13[%get3A_577, %get3A_578] {strides = array<i32>} : memref<512x32xf32, #tpu.memory_space<vmem>>, vector<16xf32>,
      %get3A_580 = arith.index_cast %add3A_570 : i32 to index
      %get3A_581 = arith.constant 16 : index
      %get3A_582 = tpu.vector_load %arg13[%get3A_580, %get3A_581] {strides = array<i32>} : memref<512x32xf32, #tpu.memory_space<vmem>>, vector<16xf32>,
      %get3A_583 = arith.index_cast %add3A_570 : i32 to index
      %get3A_584 = arith.constant 0 : index
      %get3A_585 = tpu.vector_load %arg14[%get3A_583, %get3A_584] {strides = array<i32>} : memref<512x32xf32, #tpu.memory_space<vmem>>, vector<16xf32>,
      %get3A_586 = arith.index_cast %add3A_570 : i32 to index
      %get3A_587 = arith.constant 16 : index
      %get3A_588 = tpu.vector_load %arg14[%get3A_586, %get3A_587] {strides = array<i32>} : memref<512x32xf32, #tpu.memory_space<vmem>>, vector<16xf32>,
      %mul3A_589 = arith.mulf %get3A_573, %get3A_579 : vector<16xf32>
      %mul3A_590 = arith.mulf %get3A_576, %get3A_582 : vector<16xf32>
      %add3A_591 = arith.addf %mul3A_589, %mul3A_590 : vector<16xf32>
      %reduce_sum3A_592 = arith.constant true
      %reduce_sum3A_593 = vector.broadcast %reduce_sum3A_592 : i1 to vector<16xi1>
      %reduce_sum3A_594 = tpu.scan <sum>, %add3A_591 masked %reduce_sum3A_593 : vector<16xf32>, vector<16xi1> -> vector<16xf32>
      %reduce_sum3A_595 = vector.extract %reduce_sum3A_594[15] : f32 from vector<16xf32>
      %mul3A_596 = arith.mulf %get3A_573, %get3A_585 : vector<16xf32>
      %mul3A_597 = arith.mulf %get3A_576, %get3A_588 : vector<16xf32>
      %add3A_598 = arith.addf %mul3A_596, %mul3A_597 : vector<16xf32>
      %reduce_sum3A_599 = arith.constant true
      %reduce_sum3A_600 = vector.broadcast %reduce_sum3A_599 : i1 to vector<16xi1>
      %reduce_sum3A_601 = tpu.scan <sum>, %add3A_598 masked %reduce_sum3A_600 : vector<16xf32>, vector<16xi1> -> vector<16xf32>
      %reduce_sum3A_602 = vector.extract %reduce_sum3A_601[15] : f32 from vector<16xf32>
      %eq3A_603 = arith.constant 9 : i32
      %eq3A_604 = vector.broadcast %eq3A_603 : i32 to vector<16xi32>
      %eq3A_605 = arith.cmpi eq, %iota3A, %eq3A_604 : vector<16xi32>
      %broadcast_in_dim3A_606 = vector.broadcast %reduce_sum3A_595 : f32 to vector<16xf32>
      %select_n3A_607 = arith.select %eq3A_605, %broadcast_in_dim3A_606, %select_n3A_566 : vector<16xi1>, vector<16xf32>
      %broadcast_in_dim3A_608 = vector.broadcast %reduce_sum3A_602 : f32 to vector<16xf32>
      %select_n3A_609 = arith.select %eq3A_605, %broadcast_in_dim3A_608, %select_n3A_568 : vector<16xi1>, vector<16xf32>
      %add3A_610 = arith.constant 10 : i32
      %add3A_611 = arith.addi %mul3A_200, %add3A_610 : i32
      %get3A_612 = arith.index_cast %add3A_611 : i32 to index
      %get3A_613 = arith.constant 0 : index
      %get3A_614 = tpu.vector_load %arg12[%get3A_612, %get3A_613] {strides = array<i32>} : memref<512x32xf32, #tpu.memory_space<vmem>>, vector<16xf32>,
      %get3A_615 = arith.index_cast %add3A_611 : i32 to index
      %get3A_616 = arith.constant 16 : index
      %get3A_617 = tpu.vector_load %arg12[%get3A_615, %get3A_616] {strides = array<i32>} : memref<512x32xf32, #tpu.memory_space<vmem>>, vector<16xf32>,
      %get3A_618 = arith.index_cast %add3A_611 : i32 to index
      %get3A_619 = arith.constant 0 : index
      %get3A_620 = tpu.vector_load %arg13[%get3A_618, %get3A_619] {strides = array<i32>} : memref<512x32xf32, #tpu.memory_space<vmem>>, vector<16xf32>,
      %get3A_621 = arith.index_cast %add3A_611 : i32 to index
      %get3A_622 = arith.constant 16 : index
      %get3A_623 = tpu.vector_load %arg13[%get3A_621, %get3A_622] {strides = array<i32>} : memref<512x32xf32, #tpu.memory_space<vmem>>, vector<16xf32>,
      %get3A_624 = arith.index_cast %add3A_611 : i32 to index
      %get3A_625 = arith.constant 0 : index
      %get3A_626 = tpu.vector_load %arg14[%get3A_624, %get3A_625] {strides = array<i32>} : memref<512x32xf32, #tpu.memory_space<vmem>>, vector<16xf32>,
      %get3A_627 = arith.index_cast %add3A_611 : i32 to index
      %get3A_628 = arith.constant 16 : index
      %get3A_629 = tpu.vector_load %arg14[%get3A_627, %get3A_628] {strides = array<i32>} : memref<512x32xf32, #tpu.memory_space<vmem>>, vector<16xf32>,
      %mul3A_630 = arith.mulf %get3A_614, %get3A_620 : vector<16xf32>
      %mul3A_631 = arith.mulf %get3A_617, %get3A_623 : vector<16xf32>
      %add3A_632 = arith.addf %mul3A_630, %mul3A_631 : vector<16xf32>
      %reduce_sum3A_633 = arith.constant true
      %reduce_sum3A_634 = vector.broadcast %reduce_sum3A_633 : i1 to vector<16xi1>
      %reduce_sum3A_635 = tpu.scan <sum>, %add3A_632 masked %reduce_sum3A_634 : vector<16xf32>, vector<16xi1> -> vector<16xf32>
      %reduce_sum3A_636 = vector.extract %reduce_sum3A_635[15] : f32 from vector<16xf32>
      %mul3A_637 = arith.mulf %get3A_614, %get3A_626 : vector<16xf32>
      %mul3A_638 = arith.mulf %get3A_617, %get3A_629 : vector<16xf32>
      %add3A_639 = arith.addf %mul3A_637, %mul3A_638 : vector<16xf32>
      %reduce_sum3A_640 = arith.constant true
      %reduce_sum3A_641 = vector.broadcast %reduce_sum3A_640 : i1 to vector<16xi1>
      %reduce_sum3A_642 = tpu.scan <sum>, %add3A_639 masked %reduce_sum3A_641 : vector<16xf32>, vector<16xi1> -> vector<16xf32>
      %reduce_sum3A_643 = vector.extract %reduce_sum3A_642[15] : f32 from vector<16xf32>
      %eq3A_644 = arith.constant 10 : i32
      %eq3A_645 = vector.broadcast %eq3A_644 : i32 to vector<16xi32>
      %eq3A_646 = arith.cmpi eq, %iota3A, %eq3A_645 : vector<16xi32>
      %broadcast_in_dim3A_647 = vector.broadcast %reduce_sum3A_636 : f32 to vector<16xf32>
      %select_n3A_648 = arith.select %eq3A_646, %broadcast_in_dim3A_647, %select_n3A_607 : vector<16xi1>, vector<16xf32>
      %broadcast_in_dim3A_649 = vector.broadcast %reduce_sum3A_643 : f32 to vector<16xf32>
      %select_n3A_650 = arith.select %eq3A_646, %broadcast_in_dim3A_649, %select_n3A_609 : vector<16xi1>, vector<16xf32>
      %add3A_651 = arith.constant 11 : i32
      %add3A_652 = arith.addi %mul3A_200, %add3A_651 : i32
      %get3A_653 = arith.index_cast %add3A_652 : i32 to index
      %get3A_654 = arith.constant 0 : index
      %get3A_655 = tpu.vector_load %arg12[%get3A_653, %get3A_654] {strides = array<i32>} : memref<512x32xf32, #tpu.memory_space<vmem>>, vector<16xf32>,
      %get3A_656 = arith.index_cast %add3A_652 : i32 to index
      %get3A_657 = arith.constant 16 : index
      %get3A_658 = tpu.vector_load %arg12[%get3A_656, %get3A_657] {strides = array<i32>} : memref<512x32xf32, #tpu.memory_space<vmem>>, vector<16xf32>,
      %get3A_659 = arith.index_cast %add3A_652 : i32 to index
      %get3A_660 = arith.constant 0 : index
      %get3A_661 = tpu.vector_load %arg13[%get3A_659, %get3A_660] {strides = array<i32>} : memref<512x32xf32, #tpu.memory_space<vmem>>, vector<16xf32>,
      %get3A_662 = arith.index_cast %add3A_652 : i32 to index
      %get3A_663 = arith.constant 16 : index
      %get3A_664 = tpu.vector_load %arg13[%get3A_662, %get3A_663] {strides = array<i32>} : memref<512x32xf32, #tpu.memory_space<vmem>>, vector<16xf32>,
      %get3A_665 = arith.index_cast %add3A_652 : i32 to index
      %get3A_666 = arith.constant 0 : index
      %get3A_667 = tpu.vector_load %arg14[%get3A_665, %get3A_666] {strides = array<i32>} : memref<512x32xf32, #tpu.memory_space<vmem>>, vector<16xf32>,
      %get3A_668 = arith.index_cast %add3A_652 : i32 to index
      %get3A_669 = arith.constant 16 : index
      %get3A_670 = tpu.vector_load %arg14[%get3A_668, %get3A_669] {strides = array<i32>} : memref<512x32xf32, #tpu.memory_space<vmem>>, vector<16xf32>,
      %mul3A_671 = arith.mulf %get3A_655, %get3A_661 : vector<16xf32>
      %mul3A_672 = arith.mulf %get3A_658, %get3A_664 : vector<16xf32>
      %add3A_673 = arith.addf %mul3A_671, %mul3A_672 : vector<16xf32>
      %reduce_sum3A_674 = arith.constant true
      %reduce_sum3A_675 = vector.broadcast %reduce_sum3A_674 : i1 to vector<16xi1>
      %reduce_sum3A_676 = tpu.scan <sum>, %add3A_673 masked %reduce_sum3A_675 : vector<16xf32>, vector<16xi1> -> vector<16xf32>
      %reduce_sum3A_677 = vector.extract %reduce_sum3A_676[15] : f32 from vector<16xf32>
      %mul3A_678 = arith.mulf %get3A_655, %get3A_667 : vector<16xf32>
      %mul3A_679 = arith.mulf %get3A_658, %get3A_670 : vector<16xf32>
      %add3A_680 = arith.addf %mul3A_678, %mul3A_679 : vector<16xf32>
      %reduce_sum3A_681 = arith.constant true
      %reduce_sum3A_682 = vector.broadcast %reduce_sum3A_681 : i1 to vector<16xi1>
      %reduce_sum3A_683 = tpu.scan <sum>, %add3A_680 masked %reduce_sum3A_682 : vector<16xf32>, vector<16xi1> -> vector<16xf32>
      %reduce_sum3A_684 = vector.extract %reduce_sum3A_683[15] : f32 from vector<16xf32>
      %eq3A_685 = arith.constant 11 : i32
      %eq3A_686 = vector.broadcast %eq3A_685 : i32 to vector<16xi32>
      %eq3A_687 = arith.cmpi eq, %iota3A, %eq3A_686 : vector<16xi32>
      %broadcast_in_dim3A_688 = vector.broadcast %reduce_sum3A_677 : f32 to vector<16xf32>
      %select_n3A_689 = arith.select %eq3A_687, %broadcast_in_dim3A_688, %select_n3A_648 : vector<16xi1>, vector<16xf32>
      %broadcast_in_dim3A_690 = vector.broadcast %reduce_sum3A_684 : f32 to vector<16xf32>
      %select_n3A_691 = arith.select %eq3A_687, %broadcast_in_dim3A_690, %select_n3A_650 : vector<16xi1>, vector<16xf32>
      %add3A_692 = arith.constant 12 : i32
      %add3A_693 = arith.addi %mul3A_200, %add3A_692 : i32
      %get3A_694 = arith.index_cast %add3A_693 : i32 to index
      %get3A_695 = arith.constant 0 : index
      %get3A_696 = tpu.vector_load %arg12[%get3A_694, %get3A_695] {strides = array<i32>} : memref<512x32xf32, #tpu.memory_space<vmem>>, vector<16xf32>,
      %get3A_697 = arith.index_cast %add3A_693 : i32 to index
      %get3A_698 = arith.constant 16 : index
      %get3A_699 = tpu.vector_load %arg12[%get3A_697, %get3A_698] {strides = array<i32>} : memref<512x32xf32, #tpu.memory_space<vmem>>, vector<16xf32>,
      %get3A_700 = arith.index_cast %add3A_693 : i32 to index
      %get3A_701 = arith.constant 0 : index
      %get3A_702 = tpu.vector_load %arg13[%get3A_700, %get3A_701] {strides = array<i32>} : memref<512x32xf32, #tpu.memory_space<vmem>>, vector<16xf32>,
      %get3A_703 = arith.index_cast %add3A_693 : i32 to index
      %get3A_704 = arith.constant 16 : index
      %get3A_705 = tpu.vector_load %arg13[%get3A_703, %get3A_704] {strides = array<i32>} : memref<512x32xf32, #tpu.memory_space<vmem>>, vector<16xf32>,
      %get3A_706 = arith.index_cast %add3A_693 : i32 to index
      %get3A_707 = arith.constant 0 : index
      %get3A_708 = tpu.vector_load %arg14[%get3A_706, %get3A_707] {strides = array<i32>} : memref<512x32xf32, #tpu.memory_space<vmem>>, vector<16xf32>,
      %get3A_709 = arith.index_cast %add3A_693 : i32 to index
      %get3A_710 = arith.constant 16 : index
      %get3A_711 = tpu.vector_load %arg14[%get3A_709, %get3A_710] {strides = array<i32>} : memref<512x32xf32, #tpu.memory_space<vmem>>, vector<16xf32>,
      %mul3A_712 = arith.mulf %get3A_696, %get3A_702 : vector<16xf32>
      %mul3A_713 = arith.mulf %get3A_699, %get3A_705 : vector<16xf32>
      %add3A_714 = arith.addf %mul3A_712, %mul3A_713 : vector<16xf32>
      %reduce_sum3A_715 = arith.constant true
      %reduce_sum3A_716 = vector.broadcast %reduce_sum3A_715 : i1 to vector<16xi1>
      %reduce_sum3A_717 = tpu.scan <sum>, %add3A_714 masked %reduce_sum3A_716 : vector<16xf32>, vector<16xi1> -> vector<16xf32>
      %reduce_sum3A_718 = vector.extract %reduce_sum3A_717[15] : f32 from vector<16xf32>
      %mul3A_719 = arith.mulf %get3A_696, %get3A_708 : vector<16xf32>
      %mul3A_720 = arith.mulf %get3A_699, %get3A_711 : vector<16xf32>
      %add3A_721 = arith.addf %mul3A_719, %mul3A_720 : vector<16xf32>
      %reduce_sum3A_722 = arith.constant true
      %reduce_sum3A_723 = vector.broadcast %reduce_sum3A_722 : i1 to vector<16xi1>
      %reduce_sum3A_724 = tpu.scan <sum>, %add3A_721 masked %reduce_sum3A_723 : vector<16xf32>, vector<16xi1> -> vector<16xf32>
      %reduce_sum3A_725 = vector.extract %reduce_sum3A_724[15] : f32 from vector<16xf32>
      %eq3A_726 = arith.constant 12 : i32
      %eq3A_727 = vector.broadcast %eq3A_726 : i32 to vector<16xi32>
      %eq3A_728 = arith.cmpi eq, %iota3A, %eq3A_727 : vector<16xi32>
      %broadcast_in_dim3A_729 = vector.broadcast %reduce_sum3A_718 : f32 to vector<16xf32>
      %select_n3A_730 = arith.select %eq3A_728, %broadcast_in_dim3A_729, %select_n3A_689 : vector<16xi1>, vector<16xf32>
      %broadcast_in_dim3A_731 = vector.broadcast %reduce_sum3A_725 : f32 to vector<16xf32>
      %select_n3A_732 = arith.select %eq3A_728, %broadcast_in_dim3A_731, %select_n3A_691 : vector<16xi1>, vector<16xf32>
      %add3A_733 = arith.constant 13 : i32
      %add3A_734 = arith.addi %mul3A_200, %add3A_733 : i32
      %get3A_735 = arith.index_cast %add3A_734 : i32 to index
      %get3A_736 = arith.constant 0 : index
      %get3A_737 = tpu.vector_load %arg12[%get3A_735, %get3A_736] {strides = array<i32>} : memref<512x32xf32, #tpu.memory_space<vmem>>, vector<16xf32>,
      %get3A_738 = arith.index_cast %add3A_734 : i32 to index
      %get3A_739 = arith.constant 16 : index
      %get3A_740 = tpu.vector_load %arg12[%get3A_738, %get3A_739] {strides = array<i32>} : memref<512x32xf32, #tpu.memory_space<vmem>>, vector<16xf32>,
      %get3A_741 = arith.index_cast %add3A_734 : i32 to index
      %get3A_742 = arith.constant 0 : index
      %get3A_743 = tpu.vector_load %arg13[%get3A_741, %get3A_742] {strides = array<i32>} : memref<512x32xf32, #tpu.memory_space<vmem>>, vector<16xf32>,
      %get3A_744 = arith.index_cast %add3A_734 : i32 to index
      %get3A_745 = arith.constant 16 : index
      %get3A_746 = tpu.vector_load %arg13[%get3A_744, %get3A_745] {strides = array<i32>} : memref<512x32xf32, #tpu.memory_space<vmem>>, vector<16xf32>,
      %get3A_747 = arith.index_cast %add3A_734 : i32 to index
      %get3A_748 = arith.constant 0 : index
      %get3A_749 = tpu.vector_load %arg14[%get3A_747, %get3A_748] {strides = array<i32>} : memref<512x32xf32, #tpu.memory_space<vmem>>, vector<16xf32>,
      %get3A_750 = arith.index_cast %add3A_734 : i32 to index
      %get3A_751 = arith.constant 16 : index
      %get3A_752 = tpu.vector_load %arg14[%get3A_750, %get3A_751] {strides = array<i32>} : memref<512x32xf32, #tpu.memory_space<vmem>>, vector<16xf32>,
      %mul3A_753 = arith.mulf %get3A_737, %get3A_743 : vector<16xf32>
      %mul3A_754 = arith.mulf %get3A_740, %get3A_746 : vector<16xf32>
      %add3A_755 = arith.addf %mul3A_753, %mul3A_754 : vector<16xf32>
      %reduce_sum3A_756 = arith.constant true
      %reduce_sum3A_757 = vector.broadcast %reduce_sum3A_756 : i1 to vector<16xi1>
      %reduce_sum3A_758 = tpu.scan <sum>, %add3A_755 masked %reduce_sum3A_757 : vector<16xf32>, vector<16xi1> -> vector<16xf32>
      %reduce_sum3A_759 = vector.extract %reduce_sum3A_758[15] : f32 from vector<16xf32>
      %mul3A_760 = arith.mulf %get3A_737, %get3A_749 : vector<16xf32>
      %mul3A_761 = arith.mulf %get3A_740, %get3A_752 : vector<16xf32>
      %add3A_762 = arith.addf %mul3A_760, %mul3A_761 : vector<16xf32>
      %reduce_sum3A_763 = arith.constant true
      %reduce_sum3A_764 = vector.broadcast %reduce_sum3A_763 : i1 to vector<16xi1>
      %reduce_sum3A_765 = tpu.scan <sum>, %add3A_762 masked %reduce_sum3A_764 : vector<16xf32>, vector<16xi1> -> vector<16xf32>
      %reduce_sum3A_766 = vector.extract %reduce_sum3A_765[15] : f32 from vector<16xf32>
      %eq3A_767 = arith.constant 13 : i32
      %eq3A_768 = vector.broadcast %eq3A_767 : i32 to vector<16xi32>
      %eq3A_769 = arith.cmpi eq, %iota3A, %eq3A_768 : vector<16xi32>
      %broadcast_in_dim3A_770 = vector.broadcast %reduce_sum3A_759 : f32 to vector<16xf32>
      %select_n3A_771 = arith.select %eq3A_769, %broadcast_in_dim3A_770, %select_n3A_730 : vector<16xi1>, vector<16xf32>
      %broadcast_in_dim3A_772 = vector.broadcast %reduce_sum3A_766 : f32 to vector<16xf32>
      %select_n3A_773 = arith.select %eq3A_769, %broadcast_in_dim3A_772, %select_n3A_732 : vector<16xi1>, vector<16xf32>
      %add3A_774 = arith.constant 14 : i32
      %add3A_775 = arith.addi %mul3A_200, %add3A_774 : i32
      %get3A_776 = arith.index_cast %add3A_775 : i32 to index
      %get3A_777 = arith.constant 0 : index
      %get3A_778 = tpu.vector_load %arg12[%get3A_776, %get3A_777] {strides = array<i32>} : memref<512x32xf32, #tpu.memory_space<vmem>>, vector<16xf32>,
      %get3A_779 = arith.index_cast %add3A_775 : i32 to index
      %get3A_780 = arith.constant 16 : index
      %get3A_781 = tpu.vector_load %arg12[%get3A_779, %get3A_780] {strides = array<i32>} : memref<512x32xf32, #tpu.memory_space<vmem>>, vector<16xf32>,
      %get3A_782 = arith.index_cast %add3A_775 : i32 to index
      %get3A_783 = arith.constant 0 : index
      %get3A_784 = tpu.vector_load %arg13[%get3A_782, %get3A_783] {strides = array<i32>} : memref<512x32xf32, #tpu.memory_space<vmem>>, vector<16xf32>,
      %get3A_785 = arith.index_cast %add3A_775 : i32 to index
      %get3A_786 = arith.constant 16 : index
      %get3A_787 = tpu.vector_load %arg13[%get3A_785, %get3A_786] {strides = array<i32>} : memref<512x32xf32, #tpu.memory_space<vmem>>, vector<16xf32>,
      %get3A_788 = arith.index_cast %add3A_775 : i32 to index
      %get3A_789 = arith.constant 0 : index
      %get3A_790 = tpu.vector_load %arg14[%get3A_788, %get3A_789] {strides = array<i32>} : memref<512x32xf32, #tpu.memory_space<vmem>>, vector<16xf32>,
      %get3A_791 = arith.index_cast %add3A_775 : i32 to index
      %get3A_792 = arith.constant 16 : index
      %get3A_793 = tpu.vector_load %arg14[%get3A_791, %get3A_792] {strides = array<i32>} : memref<512x32xf32, #tpu.memory_space<vmem>>, vector<16xf32>,
      %mul3A_794 = arith.mulf %get3A_778, %get3A_784 : vector<16xf32>
      %mul3A_795 = arith.mulf %get3A_781, %get3A_787 : vector<16xf32>
      %add3A_796 = arith.addf %mul3A_794, %mul3A_795 : vector<16xf32>
      %reduce_sum3A_797 = arith.constant true
      %reduce_sum3A_798 = vector.broadcast %reduce_sum3A_797 : i1 to vector<16xi1>
      %reduce_sum3A_799 = tpu.scan <sum>, %add3A_796 masked %reduce_sum3A_798 : vector<16xf32>, vector<16xi1> -> vector<16xf32>
      %reduce_sum3A_800 = vector.extract %reduce_sum3A_799[15] : f32 from vector<16xf32>
      %mul3A_801 = arith.mulf %get3A_778, %get3A_790 : vector<16xf32>
      %mul3A_802 = arith.mulf %get3A_781, %get3A_793 : vector<16xf32>
      %add3A_803 = arith.addf %mul3A_801, %mul3A_802 : vector<16xf32>
      %reduce_sum3A_804 = arith.constant true
      %reduce_sum3A_805 = vector.broadcast %reduce_sum3A_804 : i1 to vector<16xi1>
      %reduce_sum3A_806 = tpu.scan <sum>, %add3A_803 masked %reduce_sum3A_805 : vector<16xf32>, vector<16xi1> -> vector<16xf32>
      %reduce_sum3A_807 = vector.extract %reduce_sum3A_806[15] : f32 from vector<16xf32>
      %eq3A_808 = arith.constant 14 : i32
      %eq3A_809 = vector.broadcast %eq3A_808 : i32 to vector<16xi32>
      %eq3A_810 = arith.cmpi eq, %iota3A, %eq3A_809 : vector<16xi32>
      %broadcast_in_dim3A_811 = vector.broadcast %reduce_sum3A_800 : f32 to vector<16xf32>
      %select_n3A_812 = arith.select %eq3A_810, %broadcast_in_dim3A_811, %select_n3A_771 : vector<16xi1>, vector<16xf32>
      %broadcast_in_dim3A_813 = vector.broadcast %reduce_sum3A_807 : f32 to vector<16xf32>
      %select_n3A_814 = arith.select %eq3A_810, %broadcast_in_dim3A_813, %select_n3A_773 : vector<16xi1>, vector<16xf32>
      %add3A_815 = arith.constant 15 : i32
      %add3A_816 = arith.addi %mul3A_200, %add3A_815 : i32
      %get3A_817 = arith.index_cast %add3A_816 : i32 to index
      %get3A_818 = arith.constant 0 : index
      %get3A_819 = tpu.vector_load %arg12[%get3A_817, %get3A_818] {strides = array<i32>} : memref<512x32xf32, #tpu.memory_space<vmem>>, vector<16xf32>,
      %get3A_820 = arith.index_cast %add3A_816 : i32 to index
      %get3A_821 = arith.constant 16 : index
      %get3A_822 = tpu.vector_load %arg12[%get3A_820, %get3A_821] {strides = array<i32>} : memref<512x32xf32, #tpu.memory_space<vmem>>, vector<16xf32>,
      %get3A_823 = arith.index_cast %add3A_816 : i32 to index
      %get3A_824 = arith.constant 0 : index
      %get3A_825 = tpu.vector_load %arg13[%get3A_823, %get3A_824] {strides = array<i32>} : memref<512x32xf32, #tpu.memory_space<vmem>>, vector<16xf32>,
      %get3A_826 = arith.index_cast %add3A_816 : i32 to index
      %get3A_827 = arith.constant 16 : index
      %get3A_828 = tpu.vector_load %arg13[%get3A_826, %get3A_827] {strides = array<i32>} : memref<512x32xf32, #tpu.memory_space<vmem>>, vector<16xf32>,
      %get3A_829 = arith.index_cast %add3A_816 : i32 to index
      %get3A_830 = arith.constant 0 : index
      %get3A_831 = tpu.vector_load %arg14[%get3A_829, %get3A_830] {strides = array<i32>} : memref<512x32xf32, #tpu.memory_space<vmem>>, vector<16xf32>,
      %get3A_832 = arith.index_cast %add3A_816 : i32 to index
      %get3A_833 = arith.constant 16 : index
      %get3A_834 = tpu.vector_load %arg14[%get3A_832, %get3A_833] {strides = array<i32>} : memref<512x32xf32, #tpu.memory_space<vmem>>, vector<16xf32>,
      %mul3A_835 = arith.mulf %get3A_819, %get3A_825 : vector<16xf32>
      %mul3A_836 = arith.mulf %get3A_822, %get3A_828 : vector<16xf32>
      %add3A_837 = arith.addf %mul3A_835, %mul3A_836 : vector<16xf32>
      %reduce_sum3A_838 = arith.constant true
      %reduce_sum3A_839 = vector.broadcast %reduce_sum3A_838 : i1 to vector<16xi1>
      %reduce_sum3A_840 = tpu.scan <sum>, %add3A_837 masked %reduce_sum3A_839 : vector<16xf32>, vector<16xi1> -> vector<16xf32>
      %reduce_sum3A_841 = vector.extract %reduce_sum3A_840[15] : f32 from vector<16xf32>
      %mul3A_842 = arith.mulf %get3A_819, %get3A_831 : vector<16xf32>
      %mul3A_843 = arith.mulf %get3A_822, %get3A_834 : vector<16xf32>
      %add3A_844 = arith.addf %mul3A_842, %mul3A_843 : vector<16xf32>
      %reduce_sum3A_845 = arith.constant true
      %reduce_sum3A_846 = vector.broadcast %reduce_sum3A_845 : i1 to vector<16xi1>
      %reduce_sum3A_847 = tpu.scan <sum>, %add3A_844 masked %reduce_sum3A_846 : vector<16xf32>, vector<16xi1> -> vector<16xf32>
      %reduce_sum3A_848 = vector.extract %reduce_sum3A_847[15] : f32 from vector<16xf32>
      %eq3A_849 = arith.constant 15 : i32
      %eq3A_850 = vector.broadcast %eq3A_849 : i32 to vector<16xi32>
      %eq3A_851 = arith.cmpi eq, %iota3A, %eq3A_850 : vector<16xi32>
      %broadcast_in_dim3A_852 = vector.broadcast %reduce_sum3A_841 : f32 to vector<16xf32>
      %select_n3A_853 = arith.select %eq3A_851, %broadcast_in_dim3A_852, %select_n3A_812 : vector<16xi1>, vector<16xf32>
      %broadcast_in_dim3A_854 = vector.broadcast %reduce_sum3A_848 : f32 to vector<16xf32>
      %select_n3A_855 = arith.select %eq3A_851, %broadcast_in_dim3A_854, %select_n3A_814 : vector<16xi1>, vector<16xf32>
      %swap3A = arith.index_cast %mul3A_200 : i32 to index
      %swap3A_856 = tpu.vector_load %arg15[%swap3A] {strides = array<i32>} : memref<512xf32, #tpu.memory_space<vmem>>, vector<16xf32>,
      tpu.vector_store %arg15[%swap3A], %select_n3A_853 {strides = array<i32>} : memref<512xf32, #tpu.memory_space<vmem>>, vector<16xf32>,
      %swap3A_857 = arith.index_cast %mul3A_200 : i32 to index
      %swap3A_858 = tpu.vector_load %arg16[%swap3A_857] {strides = array<i32>} : memref<512xf32, #tpu.memory_space<vmem>>, vector<16xf32>,
      tpu.vector_store %arg16[%swap3A_857], %select_n3A_855 {strides = array<i32>} : memref<512xf32, #tpu.memory_space<vmem>>, vector<16xf32>,
    }
    %scan3A_197 = arith.constant 32 : i32
    "tpu.region"() ({
      %run_scoped3A = tpu.sem_alloc : memref<!tpu.dma_semaphore, #tpu.memory_space<semaphore_mem>>
      %dma_start3A_198 = tpu.memref_slice %arg7[%mul3A_2] : memref<16384xf32, #tpu.memory_space<hbm>> -> memref<512xf32, #tpu.memory_space<hbm>>
      %dma_start3A_199 = tpu.memref_slice %arg7[%mul3A_2] : memref<16384xf32, #tpu.memory_space<hbm>> -> memref<512xf32, #tpu.memory_space<hbm>>
      tpu.enqueue_dma source(%arg15 : memref<512xf32, #tpu.memory_space<vmem>>) target(%dma_start3A_199 : memref<512xf32, #tpu.memory_space<hbm>>) target_semaphore(%run_scoped3A : memref<!tpu.dma_semaphore, #tpu.memory_space<semaphore_mem>>)
      %dma_wait3A_200 = tpu.memref_slice %arg7[%mul3A_2] : memref<16384xf32, #tpu.memory_space<hbm>> -> memref<512xf32, #tpu.memory_space<hbm>>
      %dma_wait3A_201 = tpu.memref_slice %arg7[%mul3A_2] : memref<16384xf32, #tpu.memory_space<hbm>> -> memref<512xf32, #tpu.memory_space<hbm>>
      tpu.wait_dma2 semaphore(%run_scoped3A : memref<!tpu.dma_semaphore, #tpu.memory_space<semaphore_mem>>) src(%arg15 : memref<512xf32, #tpu.memory_space<vmem>>) dst(%dma_wait3A_201 : memref<512xf32, #tpu.memory_space<hbm>>)
      tpu.yield
    }) : () -> ()
    "tpu.region"() ({
      %run_scoped3A = tpu.sem_alloc : memref<!tpu.dma_semaphore, #tpu.memory_space<semaphore_mem>>
      %dma_start3A_198 = tpu.memref_slice %arg8[%mul3A_2] : memref<16384xf32, #tpu.memory_space<hbm>> -> memref<512xf32, #tpu.memory_space<hbm>>
      %dma_start3A_199 = tpu.memref_slice %arg8[%mul3A_2] : memref<16384xf32, #tpu.memory_space<hbm>> -> memref<512xf32, #tpu.memory_space<hbm>>
      tpu.enqueue_dma source(%arg16 : memref<512xf32, #tpu.memory_space<vmem>>) target(%dma_start3A_199 : memref<512xf32, #tpu.memory_space<hbm>>) target_semaphore(%run_scoped3A : memref<!tpu.dma_semaphore, #tpu.memory_space<semaphore_mem>>)
      %dma_wait3A_200 = tpu.memref_slice %arg8[%mul3A_2] : memref<16384xf32, #tpu.memory_space<hbm>> -> memref<512xf32, #tpu.memory_space<hbm>>
      %dma_wait3A_201 = tpu.memref_slice %arg8[%mul3A_2] : memref<16384xf32, #tpu.memory_space<hbm>> -> memref<512xf32, #tpu.memory_space<hbm>>
      tpu.wait_dma2 semaphore(%run_scoped3A : memref<!tpu.dma_semaphore, #tpu.memory_space<semaphore_mem>>) src(%arg16 : memref<512xf32, #tpu.memory_space<vmem>>) dst(%dma_wait3A_201 : memref<512xf32, #tpu.memory_space<hbm>>)
      tpu.yield
    }) : () -> ()
    return
  }
}

</mosaic_0001>

<sc_bundles>
// kernel: kernel.3.cloned.1.call-start
scs
__scs_entry_jumppad:
0x0: {  	(pc) =	sbr.rel $0x88, $3  }
0x1: {  	(tag) =	ssettag $0x0;
	lr =	simm.s32 $0x1  }
0x2: {  	[smem:$0x3F9C] =	sst lr;
	_ =	strace $0xD0000000  }
0x3: {  	_ = 	snop  }
0x4: {  	_ = 	snop  }
0x5: {  	_ = 	snop  }
0x6: {  	_ = 	snop  }
0x7: {  	_ = 	snop  }
__scs_overlays_trampoline_lowered:
0x8: {  	[smem:$0x3FAB] =	sst s0  }
0x9: {  	[smem:$0x3FAC] =	sst s1  }
0xa: {  	[smem:$0x3FAD] =	sst s2  }
0xb: {  	[smem:$0x3FAE] =	sst s3  }
0xc: {  	[smem:$0x3FAF] =	sst s4  }
0xd: {  	[smem:$0x3FB0] =	sst s5  }
0xe: {  	[smem:$0x3FB1] =	sst s6  }
0xf: {  	[smem:$0x3FB2] =	sst s7  }
0x10: {  	[smem:$0x3FB3] =	sst s8  }
0x11: {  	[smem:$0x3FB4] =	sst s9;
	s0 =	simm.s32 @!p0 $0x0  }
0x12: {  	s1 =	sld [smem:$0x3F9A];
	s0 =	simm.s32 @p0 $0x1  }
0x13: {  	[smem:$0x3FB5] =	sst s0;
	s0 =	simm.s32 @!p1 $0x0  }
0x14: {  	s2 =	sld [smem:$0x3F99];
	s0 =	simm.s32 @p1 $0x1  }
0x15: {  	[smem:$0x3FB6] =	sst s0;
	s0 =	simm.s32 @!p2 $0x0  }
0x16: {  	s3 =	sld [smem:$0x3FDB];
	s0 =	simm.s32 @p2 $0x1  }
0x17: {  	s4 =	simm.s32 $0x1BF5;
	[smem:$0x3FB8] =	sst s0  }
0x18: {  	s0 =	sld [smem:$0x3F9B];
	_ =	swait.ge [sflag:s4], $0x0  }
0x19: {  	s7 =	sld [smem:$0x3F9C]  }
0x1a: {  	s8 =	sadd.s32 $0xFFFFE003, lr  }
0x1b: {  	s9 =	sadd.s32 $0xFFFFFEF7, lr;
	s5 =	simm.s32 $0xFFFFFFFF;
	p2 =	slt.u32 s8, $0xFFFFF086  }
0x1c: {  	p1 =	slt.u32 s9, $0xF7A;
	s5 =	simm.s32 @!p2 $0x0  }
0x1d: {  	s5 =	simm.s32 @p1 $0x1;
	p0 =	seq.s32 s7, s2  }
0x1e: {  	s7 =	smul.u32 @!p0 $0xF7A, s2;
	p2 =	seq.s32 @!p0 s5, $0x0  }
0x1f: {  	s9 =	smul.u32 $0xF7A, s1;
	s8 =	simm.s32 @!p0 $0x1BF5;
	p2 =	por !p2, p0  }
0x20: {  	[sflag:s8] =	ssyncset.s32 @!p0 $0xFFFFF086;
	s6 =	sadd.s32 @!p0 s3, s7;
	s7 =	simm.s32 @!p0 $0x108  }
0x21: {  	s3 =	sadd.s32 s3, s9;
	s6 =	sadd.s32 @!p0 $0x88, s6;
	s7 =	simm.s32 @p2 $0x1082  }
0x22: {  	[simem:s7], [sflag:s8] =	dma.local @!p0 [hbm:s6], $0xF7A  }
0x23: {  	s9 =	sor.u32 $0xD0000000, s2;
	s6 =	simm.s32 $0x108;
	_ =	swait.ge @!p0 [sflag:s8], $0x0  }
0x24: {  	s3 =	sadd.s32 $0x88, s3;
	s6 =	simm.s32 @!p1 $0x1082;
	[sflag:s4] =	ssyncset.s32 $0xFFFFF086  }
0x25: {  	[simem:s6], [sflag:s4] =	dma.local [hbm:s3], $0xF7A  }
0x26: {  	[smem:$0x3F9C] =	sst s1;
	(tag) =	ssettag s2;
	_ =	strace s9  }
0x27: {  	s1 =	sld [smem:$0x3FAC]  }
0x28: {  	s2 =	sld [smem:$0x3FAD]  }
0x29: {  	s4 =	sld [smem:$0x3FAF]  }
0x2a: {  	p0 =	seq.s32 s5, $0x0;
	s5 =	sld [smem:$0x3FB0]  }
0x2b: {  	s6 =	sld [smem:$0x3FB1]  }
0x2c: {  	s7 =	sld [smem:$0x3FB2]  }
0x2d: {  	s3 =	simm.s32 $0x108;
	s8 =	sld [smem:$0x3FB3]  }
0x2e: {  	s3 =	simm.s32 @!p0 $0x1082;
	s9 =	sld [smem:$0x3FB4]  }
0x2f: {  	lr =	sadd.s32 s0, s3;
	s0 =	sld [smem:$0x3FAB]  }
0x30: {  	s3 =	sld [smem:$0x3FAE]  }
0x31: {  	[smem:$0x3FB7] =	sst s10  }
0x32: {  	s10 =	sld [smem:$0x3FB5];
	_ =	sdelay $0x3  }
0x33: {  	p0 =	seq.s32 s10, $0x1;
	s10 =	sld [smem:$0x3FB7];
	_ =	sdelay $0x3  }
0x34: {  	[smem:$0x3FB7] =	sst s10  }
0x35: {  	s10 =	sld [smem:$0x3FB6];
	_ =	sdelay $0x3  }
0x36: {  	p1 =	seq.s32 s10, $0x1;
	s10 =	sld [smem:$0x3FB7];
	_ =	sdelay $0x3  }
0x37: {  	[smem:$0x3FB7] =	sst s10  }
0x38: {  	s10 =	sld [smem:$0x3FB8]  }
0x39: {  	_ = 	snop;
	(pc) =	sbr.ind lr, $3  }
0x3a: {  	_ = 	snop  }
0x3b: {  	_ = 	snop  }
0x3c: {  	p2 =	seq.s32 s10, $0x1;
	s10 =	sld [smem:$0x3FB7]  }
0x3d: {  	_ =	shalt  }
0x3e: {  	_ =	shalt  }
0x3f: {  	_ =	shalt  }
0x40: {  	_ =	shalt  }
0x41: {  	_ =	shalt  }
0x42: {  	_ =	shalt  }
0x43: {  	_ =	shalt  }
0x44: {  	_ =	shalt  }
0x45: {  	_ =	shalt  }
0x46: {  	_ =	shalt  }
0x47: {  	_ =	shalt  }
0x48: {  	_ =	shalt  }
0x49: {  	_ =	shalt  }
0x4a: {  	_ =	shalt  }
0x4b: {  	_ =	shalt  }
0x4c: {  	_ =	shalt  }
0x4d: {  	_ =	shalt  }
0x4e: {  	_ =	shalt  }
0x4f: {  	_ =	shalt  }
0x50: {  	_ =	shalt  }
0x51: {  	_ =	shalt  }
0x52: {  	_ =	shalt  }
0x53: {  	_ =	shalt  }
0x54: {  	_ =	shalt  }
0x55: {  	_ =	shalt  }
0x56: {  	_ =	shalt  }
0x57: {  	_ =	shalt  }
0x58: {  	_ =	shalt  }
0x59: {  	_ =	shalt  }
0x5a: {  	_ =	shalt  }
0x5b: {  	_ =	shalt  }
0x5c: {  	_ =	shalt  }
0x5d: {  	_ =	shalt  }
0x5e: {  	_ =	shalt  }
0x5f: {  	_ =	shalt  }
0x60: {  	_ =	shalt  }
0x61: {  	_ =	shalt  }
0x62: {  	_ =	shalt  }
0x63: {  	_ =	shalt  }
0x64: {  	_ =	shalt  }
0x65: {  	_ =	shalt  }
0x66: {  	_ =	shalt  }
0x67: {  	_ =	shalt  }
0x68: {  	_ =	shalt  }
0x69: {  	_ =	shalt  }
0x6a: {  	_ =	shalt  }
0x6b: {  	_ =	shalt  }
0x6c: {  	_ =	shalt  }
0x6d: {  	_ =	shalt  }
0x6e: {  	_ =	shalt  }
0x6f: {  	_ =	shalt  }
0x70: {  	_ =	shalt  }
0x71: {  	_ =	shalt  }
0x72: {  	_ =	shalt  }
0x73: {  	_ =	shalt  }
0x74: {  	_ =	shalt  }
0x75: {  	_ =	shalt  }
0x76: {  	_ =	shalt  }
0x77: {  	_ =	shalt  }
0x78: {  	_ =	shalt  }
0x79: {  	_ =	shalt  }
0x7a: {  	_ =	shalt  }
0x7b: {  	_ =	shalt  }
0x7c: {  	_ =	shalt  }
0x7d: {  	_ =	shalt  }
0x7e: {  	_ =	shalt  }
0x7f: {  	_ =	shalt  }
0x80: {  	_ =	shalt  }
0x81: {  	_ =	shalt  }
0x82: {  	_ =	shalt  }
0x83: {  	_ =	shalt  }
0x84: {  	_ =	shalt  }
0x85: {  	_ =	shalt  }
0x86: {  	_ =	shalt  }
0x87: {  	_ =	shalt  }
.Lfunc_end0:
.L_simem_size_0:
called_computation_lowered:
.L_overlay_start_0:
0x88: {  	s2 =	sld [smem:$0x3FD9]  }
0x89: {  	s3 =	sld [smem:$0x3FFE];
	_ =	sdelay $0x1  }
0x8a: {  	s1 =	srdreg.scid  }
0x8b: {  	s0 =	sand.u32 $0x1, s1  }
0x8c: {  	s14 =	sshll.u32 s0, $0xA;
	s2 =	sadd.s32 s3, s2  }
0x8d: {  	s2 =	sadd.s32 s2, s14  }
0x8e: {  	[smem:$0x3FC3] =	sst s2  }
0x8f: {  	_ = 	snop  }
0x90: {  	s2 =	sld [smem:$0x3FD0]  }
0x91: {  	s15 =	sld [smem:$0x3FC9]  }
0x92: {  	s4 =	sld [smem:$0x3FC8]  }
0x93: {  	s6 =	simm.s32 $0xA;
	s7 =	simm.s32 $0x10;
	s5 =	sld [smem:$0x3FC7]  }
0x94: {  	[smem:s7], [sflag:s6] =	dma.local [hbm:s2], $0x1  }
0x95: {  	_ =	swait.eq [sflag:s6], $0x1  }
0x96: {  	[sflag:s6] =	ssyncset.done $0x0  }
0x97: {  	s16 =	sld [smem:$0x10];
	[sflag:s6] =	ssyncadd.s32 $0xFFFFFFFF  }
0x98: {  	s17 =	sld [smem:$0x11];
	(tm) =	ssettm $0x1  }
0x99: {  	s18 =	sld [smem:$0x3FFB];
	_ =	sdelay $0x3  }
0x9a: {  	_ =	strace s18  }
0x9b: {  	s7 =	sld [smem:$0x3FFC];
	_ =	sdelay $0x3  }
0x9c: {  	_ =	strace s7  }
0x9d: {  	s7 =	sld [smem:$0x3FFD];
	_ =	sdelay $0x3  }
0x9e: {  	_ =	strace s7  }
0x9f: {  	_ =	strace $0x8FFFFFFF  }
0xa0: {  	s19 =	sld [smem:$0x3FDB];
	_ =	sdelay $0x1  }
0xa1: {  	s8 =	simm.s32 $_scs_section_size  }
0xa2: {  	s9 =	simm.s32 $_size__tile_overlayer_lowered;
	s10 =	simm.s32 $_tile_overlayer_lowered  }
0xa3: {  	s22 =	simm.s32 $0x1BFF;
	s21 =	sshll.u32 s10, $0x1;
	s7 =	sadd.s32 s8, s19  }
0xa4: {  	s11 =	simm.s32 $0x0;
	s20 =	sshll.u32 s9, $0x1;
	s9 =	sadd.s32 s21, s7  }
0xa5: {  	[timem:s11], [sflag:s22] =	dma.local [hbm:s9], s20  }
0xa6: {  	_ =	swait.ge [sflag:s22], s20  }
0xa7: {  	s8 =	ssub.s32 $0x0, s20;
	[sflag:s22] =	ssyncset.done $0x0  }
0xa8: {  	[sflag:s22] =	ssyncadd.s32 s8;
	_ =	sdelay $0x1  }
0xa9: {  	s23 =	simm.s32 $0x1B8B  }
0xaa: {  	_ =	swait.ge [sflag:s23], $0x1  }
0xab: {  	[sflag:s23] =	ssyncset.done $0x0  }
0xac: {  	s25 =	simm.s32 $0x1B8E;
	s24 =	sld [smem:$0x3FFE];
	[sflag:s23] =	ssyncadd.s32 $0xFFFFFFFF  }
0xad: {  	s26 =	simm.s32 $execute0_lowered;
	[smem:$0x3FD2] =	sst s25  }
0xae: {  	s9 =	sshll.u32 s26, $0x1;
	_ =	strace $0x80000046;
	[dreg:$0x1] =	wrdreg $0xFFFFFFFF  }
0xaf: {  	s28 =	simm.s32 $_size_execute0_lowered;
	s7 =	sadd.s32 s7, s9;
	[dreg:$0x0] =	wrdreg $0x0  }
0xb0: {  	s9 =	sshll.u32 s28, $0x1;
	[dreg:$0x2] =	wrdreg s7  }
0xb1: {  	[dreg:$0x3] =	wrdreg s9  }
0xb2: {  	[dreg:$0x4] =	wrdreg $0xC0  }
0xb3: {  	_ =	task [dreg:s11], $0x5FFFF  }
0xb4: {  	[dreg:$0x1] =	wrdreg $0xFFFFFFFF  }
0xb5: {  	[dreg:$0x0] =	wrdreg $0x60  }
0xb6: {  	[dreg:$0x2] =	wrdreg s15  }
0xb7: {  	[dreg:$0x3] =	wrdreg s4  }
0xb8: {  	[dreg:$0x4] =	wrdreg s5  }
0xb9: {  	[dreg:$0x5] =	wrdreg s24  }
0xba: {  	[dreg:$0x6] =	wrdreg s16  }
0xbb: {  	[dreg:$0x7] =	wrdreg s17  }
0xbc: {  	[dreg:$0x8] =	wrdreg $0x9  }
0xbd: {  	_ =	task.clear_ibuf [dreg:s11], $0x9FFFF;
	_ =	strace $0x90000046  }
0xbe: {  	s29 =	simm.s32 $0x9;
	_ =	strace $0x80000048  }
0xbf: {  	_ =	swait.ge [sflag:s29], $0x1  }
0xc0: {  	[sflag:s29] =	ssyncadd.s32 $0xFFFFFFFF  }
0xc1: {  	_ =	strace $0x90000048  }
0xc2: {  	_ =	sfence  }
0xc3: {  	s30 =	sld [smem:$0x0];
	_ =	sdelay $0x2  }
0xc4: {  	s31 =	sshll.u32 s1, $0xD;
	s1 =	sshrl.u32 s1, $0x2  }
0xc5: {  	s3 =	sand.u32 $0x4000, s31;
	s1 =	sadd.s32 s1, s30  }
0xc6: {  	s0 =	sor.u32 s3, s0;
	s1 =	sshll.u32 s1, $0x11  }
0xc7: {  	s0 =	sor.u32 s1, s0  }
0xc8: {  	s0 =	sadd.s32 $0x8F2B, s0  }
0xc9: {  	[sflag:s0] =	ssyncadd.remote.s32 $0x1  }
0xca: {  	_ =	sfence.sel $0xFFFF  }
0xcb: {  	[dreg:$0x0] =	wrdreg $0xFFFFFFFF;
	(pc) =	sbr.abs _section_cstart, $3  }
0xcc: {  	[dreg:$0x1] =	wrdreg $0xFFFFFFFF  }
0xcd: {  	_ =	task.clear_ibuf [dreg:s11], $0x2FFFF;
	_ =	strace $0x9FFFFFFF  }
0xce: {  	(tm) =	ssettm $0x7FFFFFFF  }
0xcf: {  	_ =	shalt  }
tec
execute0_lowered:
.L_overlay_start_1:
0x0: {  	(tag) =	ssettag $0x1  }
0x1: {  	s0 =	rddreg [dreg:$0x0]  }
0x2: {  	s1 =	rddreg [dreg:$0x1]  }
0x3: {  	s7 =	rddreg [dreg:$0x2]  }
0x4: {  	s4 =	rddreg [dreg:$0x3]  }
0x5: {  	s8 =	rddreg [dreg:$0x4]  }
0x6: {  	s9 =	rddreg [dreg:$0x5];
	s2 =	simm.s32 $0x0;
	s3 =	srdreg.scid  }
0x7: {  	s6 =	stileid.u32;
	s12 =	simm.s32 $0x200;
	s13 =	simm.s32 $0x400  }
0x8: {  	s14 =	simm.s32 $0x80;
	s25 =	simm.s32 $0x300;
	s26 =	simm.s32 $0x6600  }
0x9: {  	s28 =	simm.s32 $0x500;
	s29 =	simm.s32 $0xA600;
	s30 =	simm.s32 $0x180  }
0xa: {  	s31 =	simm.s32 $0x3600;
	s15 =	simm.s32 $0x580;
	s16 =	simm.s32 $0xB600  }
0xb: {  	s17 =	simm.s32 $0x1;
	s18 =	simm.s32 $0xC600;
	s19 =	simm.s32 $0xC800  }
0xc: {  	s20 =	simm.s32 $0x0;
	[smem:$0x7FF] =	sst s2;
	s3 =	sand.u32 $0x1, s3  }
0xd: {  	s6 =	sshll.u32 s6, $0x7;
	_ =	strace $0x80000047;
	s5 =	ssub.s32 $0x2, s3  }
0xe: {  	vm0 =	vmmov $0x1;
	vm1 =	vmmov $0x3;
	vm2 =	vmmov $0x7;
	s10 =	sshll.u32 s3, $0x6;
	s3 =	sadd.s32 $0xF42C00, s4;
	s11 =	sshrl.u32 s5, $0x1  }
0xf: {  	vm3 =	vmmov $0xf;
	vm4 =	vmmov $0x1f;
	vm5 =	vmmov $0x3f;
	s4 =	sadd.s32 $0x1313600, s4;
	s10 =	sor.u32 s10, s6;
	s11 =	ssub.s32 s5, s11  }
0x10: {  	vm6 =	vmmov $0x7f;
	vm7 =	vmmov $0xff;
	vm8 =	vmmov $0x1ff;
	s5 =	sadd.s32 s0, s10;
	s6 =	sadd.s32 s1, s10;
	s7 =	sadd.s32 s7, s10  }
0x11: {  	vm9 =	vmmov $0x3ff;
	vm10 =	vmmov $0x7ff;
	vm11 =	vmmov $0xfff;
	s8 =	sadd.s32 s8, s10;
	s9 =	sadd.s32 s9, s10;
	s0 =	simm.s32 $0x380  }
0x12: {  	vm12 =	vmmov $0x1fff;
	vm13 =	vmmov $0x3fff;
	vm14 =	vmmov $0x7fff;
	s1 =	simm.s32 $0x7600;
	s10 =	smax.u32 s11, $0x1;
	s11 =	simm.s32 $0x2  }
.LBB2_1:
0x13: {  	[tilespmem:s2], [sflag:$0x2] =	stream.linear.gather [hbm4b:s5+s2], $0x200, $0x38;
	[tilespmem:$0xCA00] =	vst v63  }
0x14: {  	_ =	swait.ge [sflag:s11], $0x200  }
0x15: {  	[sflag:s11] =	ssyncset.done $0x0  }
0x16: {  	[sflag:s11] =	ssyncadd.s32 $0xFFFFFE00  }
0x17: {  	[tilespmem:s12], [sflag:$0x2] =	stream.linear.gather [hbm4b:s6+s2], $0x200, $0x38;
	[tilespmem:$0xCA00] =	vst v63  }
0x18: {  	_ =	swait.ge [sflag:s11], $0x200  }
0x19: {  	[sflag:s11] =	ssyncset.done $0x0  }
0x1a: {  	[sflag:s11] =	ssyncadd.s32 $0xFFFFFE00  }
0x1b: {  	[tilespmem:s13], [sflag:$0x2] =	stream.linear.gather [hbm4b:s7+s2], $0x200, $0x38;
	[tilespmem:$0xCA00] =	vst v63  }
0x1c: {  	_ =	swait.ge [sflag:s11], $0x200  }
0x1d: {  	[sflag:s11] =	ssyncset.done $0x0  }
0x1e: {  	s21 =	simm.s32 $0x600;
	[sflag:s11] =	ssyncadd.s32 $0xFFFFFE00  }
0x1f: {  	[tilespmem:s21], [sflag:$0x1] =	stream.indirect.gather [hbm4b:s3+s14], $0x20, s2, s14, $0xb8;
	[tilespmem:$0xCA00] =	vst v63  }
0x20: {  	s24 =	simm.s32 $0x4600  }
0x21: {  	[tilespmem:s24], [sflag:$0x1] =	stream.indirect.gather [hbm4b:s4+s14], $0x20, s12, s14, $0xb8;
	[tilespmem:$0xCA00] =	vst v63  }
0x22: {  	s22 =	simm.s32 $0x8600  }
0x23: {  	[tilespmem:s22], [sflag:$0x1] =	stream.indirect.gather [hbm4b:s4+s14], $0x20, s13, s14, $0xb8;
	[tilespmem:$0xCA00] =	vst v63  }
0x24: {  	s23 =	simm.s32 $0x1600  }
0x25: {  	[tilespmem:s23], [sflag:$0x1] =	stream.indirect.gather [hbm4b:s3+s14], $0x20, s14, s14, $0xb8;
	[tilespmem:$0xCA00] =	vst v63  }
0x26: {  	s24 =	simm.s32 $0x280;
	s22 =	simm.s32 $0x5600  }
0x27: {  	[tilespmem:s22], [sflag:$0x1] =	stream.indirect.gather [hbm4b:s4+s14], $0x20, s24, s14, $0xb8;
	[tilespmem:$0xCA00] =	vst v63  }
0x28: {  	s23 =	simm.s32 $0x480;
	s24 =	simm.s32 $0x9600  }
0x29: {  	[tilespmem:s24], [sflag:$0x1] =	stream.indirect.gather [hbm4b:s4+s14], $0x20, s23, s14, $0xb8;
	[tilespmem:$0xCA00] =	vst v63  }
0x2a: {  	s22 =	simm.s32 $0x100;
	s23 =	simm.s32 $0x2600  }
0x2b: {  	[tilespmem:s23], [sflag:$0x1] =	stream.indirect.gather [hbm4b:s3+s14], $0x20, s22, s14, $0xb8;
	[tilespmem:$0xCA00] =	vst v63  }
0x2c: {  	_ = 	snop  }
0x2d: {  	[tilespmem:s26], [sflag:$0x1] =	stream.indirect.gather [hbm4b:s4+s14], $0x20, s25, s14, $0xb8;
	[tilespmem:$0xCA00] =	vst v63  }
0x2e: {  	_ = 	snop  }
0x2f: {  	[tilespmem:s29], [sflag:$0x1] =	stream.indirect.gather [hbm4b:s4+s14], $0x20, s28, s14, $0xb8;
	[tilespmem:$0xCA00] =	vst v63  }
0x30: {  	_ = 	snop  }
0x31: {  	[tilespmem:s31], [sflag:$0x1] =	stream.indirect.gather [hbm4b:s3+s14], $0x20, s30, s14, $0xb8;
	[tilespmem:$0xCA00] =	vst v63  }
0x32: {  	_ = 	snop  }
0x33: {  	[tilespmem:s1], [sflag:$0x1] =	stream.indirect.gather [hbm4b:s4+s14], $0x20, s0, s14, $0xb8;
	[tilespmem:$0xCA00] =	vst v63  }
0x34: {  	_ = 	snop  }
0x35: {  	[tilespmem:s16], [sflag:$0x1] =	stream.indirect.gather [hbm4b:s4+s14], $0x20, s15, s14, $0xb8;
	[tilespmem:$0xCA00] =	vst v63  }
0x36: {  	_ =	swait.ge [sflag:s17], $0x1000  }
0x37: {  	[sflag:s17] =	ssyncset.done $0x0  }
0x38: {  	[sflag:s17] =	ssyncadd.s32 $0xFFFFF000  }
0x39: {  	_ =	swait.ge [sflag:s17], $0x1000  }
0x3a: {  	[sflag:s17] =	ssyncset.done $0x0  }
0x3b: {  	[sflag:s17] =	ssyncadd.s32 $0xFFFFF000  }
0x3c: {  	_ =	swait.ge [sflag:s17], $0x1000  }
0x3d: {  	[sflag:s17] =	ssyncset.done $0x0  }
0x3e: {  	[sflag:s17] =	ssyncadd.s32 $0xFFFFF000  }
0x3f: {  	_ =	swait.ge [sflag:s17], $0x1000  }
0x40: {  	[sflag:s17] =	ssyncset.done $0x0  }
0x41: {  	[sflag:s17] =	ssyncadd.s32 $0xFFFFF000  }
0x42: {  	_ =	swait.ge [sflag:s17], $0x1000  }
0x43: {  	[sflag:s17] =	ssyncset.done $0x0  }
0x44: {  	[sflag:s17] =	ssyncadd.s32 $0xFFFFF000  }
0x45: {  	_ =	swait.ge [sflag:s17], $0x1000  }
0x46: {  	[sflag:s17] =	ssyncset.done $0x0  }
0x47: {  	[sflag:s17] =	ssyncadd.s32 $0xFFFFF000  }
0x48: {  	_ =	swait.ge [sflag:s17], $0x1000  }
0x49: {  	[sflag:s17] =	ssyncset.done $0x0  }
0x4a: {  	[sflag:s17] =	ssyncadd.s32 $0xFFFFF000  }
0x4b: {  	_ =	swait.ge [sflag:s17], $0x1000  }
0x4c: {  	[sflag:s17] =	ssyncset.done $0x0  }
0x4d: {  	[sflag:s17] =	ssyncadd.s32 $0xFFFFF000  }
0x4e: {  	_ =	swait.ge [sflag:s17], $0x1000  }
0x4f: {  	[sflag:s17] =	ssyncset.done $0x0  }
0x50: {  	[sflag:s17] =	ssyncadd.s32 $0xFFFFF000  }
0x51: {  	_ =	swait.ge [sflag:s17], $0x1000  }
0x52: {  	[sflag:s17] =	ssyncset.done $0x0  }
0x53: {  	[sflag:s17] =	ssyncadd.s32 $0xFFFFF000  }
0x54: {  	_ =	swait.ge [sflag:s17], $0x1000  }
0x55: {  	[sflag:s17] =	ssyncset.done $0x0  }
0x56: {  	[sflag:s17] =	ssyncadd.s32 $0xFFFFF000  }
0x57: {  	_ =	swait.ge [sflag:s17], $0x1000  }
0x58: {  	[sflag:s17] =	ssyncset.done $0x0  }
0x59: {  	s24 =	simm.s32 $0x0;
	[sflag:s17] =	ssyncadd.s32 $0xFFFFF000  }
0x5a: {  	v6 =	vld [tilespmem:s24+$0x47E0]  }
0x5b: {  	v9 =	vld [tilespmem:s24+$0x47F0]  }
0x5c: {  	v12 =	vld [tilespmem:s24+$0x87C0]  }
0x5d: {  	v13 =	vld [tilespmem:s24+$0x87D0]  }
0x5e: {  	v14 =	vld [tilespmem:s24+$0x47C0]  }
0x5f: {  	v15 =	vld [tilespmem:s24+$0x47D0]  }
0x60: {  	v16 =	vld [tilespmem:s24+$0x47A0]  }
0x61: {  	v2 =	vld [tilespmem:s24+$0x7E0]  }
0x62: {  	v3 =	vld [tilespmem:s24+$0x7F0]  }
0x63: {  	v17 =	vld [tilespmem:s24+$0x47B0]  }
0x64: {  	v18 =	vld [tilespmem:s24+$0x7C0]  }
0x65: {  	v19 =	vld [tilespmem:s24+$0x7D0]  }
0x66: {  	v20 =	vld [tilespmem:s24+$0x8780]  }
0x67: {  	v21 =	vld [tilespmem:s24+$0x8790]  }
0x68: {  	v22 =	vld [tilespmem:s24+$0x4780]  }
0x69: {  	v23 =	vld [tilespmem:s24+$0x4790]  }
0x6a: {  	v1 =	vld [tilespmem:s24+$0x7A0]  }
0x6b: {  	v0 =	vld [tilespmem:s24+$0x7B0]  }
0x6c: {  	v24 =	vld [tilespmem:s24+$0x8760]  }
0x6d: {  	v25 =	vld [tilespmem:s24+$0x780]  }
0x6e: {  	v26 =	vld [tilespmem:s24+$0x790]  }
0x6f: {  	v27 =	vld [tilespmem:s24+$0x8770]  }
0x70: {  	v28 =	vld [tilespmem:s24+$0x4760]  }
0x71: {  	v29 =	vld [tilespmem:s24+$0x4770]  }
0x72: {  	v30 =	vld [tilespmem:s24+$0x4740]  }
0x73: {  	v31 =	vld [tilespmem:s24+$0x760]  }
0x74: {  	v32 =	vld [tilespmem:s24+$0x770]  }
0x75: {  	v33 =	vld [tilespmem:s24+$0x4750]  }
0x76: {  	v34 =	vld [tilespmem:s24+$0x8720]  }
0x77: {  	v35 =	vld [tilespmem:s24+$0x8730]  }
0x78: {  	v36 =	vld [tilespmem:s24+$0x4720]  }
0x79: {  	v4 =	vld [tilespmem:s24+$0x740]  }
0x7a: {  	v5 =	vld [tilespmem:s24+$0x750]  }
0x7b: {  	v37 =	vld [tilespmem:s24+$0x4730]  }
0x7c: {  	v38 =	vld [tilespmem:s24+$0x720]  }
0x7d: {  	v39 =	vld [tilespmem:s24+$0x730]  }
0x7e: {  	v40 =	vld [tilespmem:s24+$0x8700]  }
0x7f: {  	v41 =	vld [tilespmem:s24+$0x8710]  }
0x80: {  	v42 =	vld [tilespmem:s24+$0x4700]  }
0x81: {  	v43 =	vld [tilespmem:s24+$0x4710]  }
0x82: {  	v44 =	vld [tilespmem:s24+$0x700]  }
0x83: {  	v45 =	vld [tilespmem:s24+$0x710]  }
0x84: {  	v46 =	vld [tilespmem:s24+$0x46E0]  }
0x85: {  	v47 =	vld [tilespmem:s24+$0x46F0]  }
0x86: {  	v48 =	vld [tilespmem:s24+$0x86C0]  }
0x87: {  	v49 =	vld [tilespmem:s24+$0x46C0]  }
0x88: {  	v8 =	vld [tilespmem:s24+$0x6E0]  }
0x89: {  	v10 =	vld [tilespmem:s24+$0x6F0]  }
0x8a: {  	v50 =	vld [tilespmem:s24+$0x46D0]  }
0x8b: {  	v51 =	vld [tilespmem:s24+$0x6C0]  }
0x8c: {  	v52 =	vld [tilespmem:s24+$0x6D0]  }
0x8d: {  	v53 =	vld [tilespmem:s24+$0x86D0]  }
0x8e: {  	v62 =	vld [tilespmem:s24+$0x86A0]  }
0x8f: {  	v55 =	vld [tilespmem:s24+$0x46A0]  }
0x90: {  	v56 =	vld [tilespmem:s24+$0x46B0]  }
0x91: {  	v57 =	vld [tilespmem:s24+$0x6A0]  }
0x92: {  	v58 =	vld [tilespmem:s24+$0x6B0]  }
0x93: {  	v59 =	vld [tilespmem:s24+$0x86B0]  }
0x94: {  	v60 =	vld [tilespmem:s24+$0x4680]  }
0x95: {  	v7 =	vld [tilespmem:s24+$0x4660]  }
0x96: {  	v61 =	vld [tilespmem:s24+$0x4690]  }
0x97: {  	v54 =	vld [tilespmem:s24+$0x680]  }
0x98: {  	v11 =	vld [tilespmem:s24+$0x690]  }
0x99: {  	v63 =	vld [tilespmem:s24+$0x4670]  }
0x9a: {  	[tilespmem:$0x1FF90] =	vst v7;
	v7 =	vld [tilespmem:s24+$0x660]  }
0x9b: {  	[tilespmem:$0x1FFA0] =	vst v2;
	v6 =	vmul.f32 v6, v2;
	v9 =	vmul.f32 v9, v3;
	v2 =	vld [tilespmem:s24+$0x670]  }
0x9c: {  	[tilespmem:$0x1FFB0] =	vst v3;
	v14 =	vmul.f32 v14, v18;
	v15 =	vmul.f32 v15, v19;
	v3 =	vld [tilespmem:s24+$0x8660]  }
0x9d: {  	v6 =	vadd.f32 v9, v6;
	v9 =	vmul.f32 v12, v18;
	v12 =	vmul.f32 v13, v19;
	v13 =	vld [tilespmem:s24+$0x8670]  }
0x9e: {  	v14 =	vadd.f32 v15, v14;
	v15 =	vmul.f32 v16, v1;
	v16 =	vmul.f32 v17, v0;
	v17 =	vld [tilespmem:s24+$0x4640]  }
0x9f: {  	v18 =	vld [tilespmem:s24+$0x4650]  }
0xa0: {  	[tilespmem:$0x1FFD0] =	vst v0;
	v19 =	vld [tilespmem:s24+$0x640];
	(xrf2) =	vadd.scan.msk.f32 $0xffff, v6;
	v6 =	vadd.f32 v12, v9;
	v9 =	vmul.f32 v22, v25  }
0xa1: {  	v0 =	vld [tilespmem:$0x1FF90];
	v12 =	vmul.f32 v23, v26;
	(xrf2) =	vadd.scan.msk.f32 $0xffff, v14;
	v14 =	vadd.f32 v16, v15;
	v15 =	vmul.f32 v20, v25  }
0xa2: {  	[tilespmem:$0x1FFC0] =	vst v1;
	v22 =	vld [tilespmem:s24+$0x8650];
	v16 =	vmul.f32 v21, v26;
	v1 =	vmul.f32 v3, v7  }
0xa3: {  	v23 =	vld [tilespmem:s24+$0x4600];
	(xrf2) =	vadd.scan.msk.f32 $0xffff, v6;
	v6 =	vadd.f32 v12, v9;
	v9 =	vmul.f32 v28, v31;
	v12 =	vmul.f32 v29, v32  }
0xa4: {  	v20 =	vld [tilespmem:s24+$0x650];
	(xrf2) =	vadd.scan.msk.f32 $0xffff, v14;
	v14 =	vadd.f32 v16, v15;
	v15 =	vmul.f32 v24, v31;
	v16 =	vmul.f32 v27, v32  }
0xa5: {  	v21 =	vld [tilespmem:s24+$0x8640];
	(xrf2) =	vadd.scan.msk.f32 $0xffff, v6;
	v6 =	vadd.f32 v12, v9;
	v9 =	vmul.f32 v30, v4;
	v12 =	vmul.f32 v33, v5  }
0xa6: {  	v25 =	vld [tilespmem:s24+$0x600];
	(xrf2) =	vadd.scan.msk.f32 $0xffff, v14;
	v14 =	vadd.f32 v16, v15;
	v15 =	vmul.f32 v36, v38;
	v16 =	vmul.f32 v37, v39  }
0xa7: {  	v3 =	vld [tilespmem:$0x1FFA0];
	(xrf2) =	vadd.scan.msk.f32 $0xffff, v6;
	v6 =	vadd.f32 v12, v9;
	v9 =	vmul.f32 v34, v38;
	v12 =	vmul.f32 v35, v39  }
0xa8: {  	v28 =	vld [tilespmem:s24+$0x8600];
	(xrf2) =	vadd.scan.msk.f32 $0xffff, v14;
	v14 =	vadd.f32 v16, v15;
	v15 =	vmul.f32 v42, v44;
	v16 =	vmul.f32 v43, v45  }
0xa9: {  	v26 =	vmul.f32 v41, v45;
	v24 =	vld [tilespmem:s24+$0x4610];
	(xrf2) =	vadd.scan.msk.f32 $0xffff, v6;
	v9 =	vadd.f32 v12, v9;
	v12 =	vmul.f32 v40, v44  }
0xaa: {  	v27 =	vld [tilespmem:s24+$0x610];
	(xrf2) =	vadd.scan.msk.f32 $0xffff, v14;
	v14 =	vadd.f32 v16, v15;
	v15 =	vmul.f32 v46, v8;
	v16 =	vmul.f32 v47, v10  }
0xab: {  	v29 =	vmul.f32 v50, v52;
	v30 =	vld [tilespmem:s24+$0x8610];
	v6, _, _ =	vpop (xrf2);
	(xrf2) =	vadd.scan.msk.f32 $0xffff, v9;
	v12 =	vadd.f32 v26, v12;
	v26 =	vmul.f32 v49, v51  }
0xac: {  	[tilespmem:$0x1FFE0] =	vst v4;
	v4 =	vld [tilespmem:$0x1FFD0];
	v31, _, _ =	vpop (xrf2);
	(xrf2) =	vadd.scan.msk.f32 $0xffff, v14;
	v14 =	vadd.f32 v16, v15  }
0xad: {  	v46 =	vld [tilespmem:s24+$0x4620];
	v15 =	vmul.f32 v48, v51;
	v16 =	vmul.f32 v53, v52;
	v9, _, _ =	vpop (xrf2);
	(xrf2) =	vadd.scan.msk.f32 $0xffff, v12;
	v12 =	vadd.f32 v29, v26  }
0xae: {  	v47 =	vld [tilespmem:s24+$0x4630];
	v26 =	vmul.f32 v55, v57;
	v29 =	vmul.f32 v56, v58  }
0xaf: {  	v49 =	vld [tilespmem:s24+$0x620];
	v48, _, _ =	vpop (xrf2);
	(xrf2) =	vadd.scan.msk.f32 $0xffff, v14;
	v14 =	vadd.f32 v16, v15;
	v15 =	vmul.f32 v62, v57;
	v16 =	vmul.f32 v59, v58  }
0xb0: {  	v51 =	vmul.f32 v61, v11;
	v52 =	vld [tilespmem:s24+$0x630];
	v50, _, _ =	vpop (xrf2);
	(xrf2) =	vadd.scan.msk.f32 $0xffff, v12;
	v26 =	vadd.f32 v29, v26;
	v29 =	vmul.f32 v60, v54  }
0xb1: {  	v53 =	vld [tilespmem:s24+$0x87E0];
	v12, _, _ =	vpop (xrf2);
	(xrf2) =	vadd.scan.msk.f32 $0xffff, v14;
	v14 =	vadd.f32 v16, v15;
	v15 =	vmul.f32 v0, v7;
	v16 =	vmul.f32 v63, v2  }
0xb2: {  	v0 =	vmul.f32 v13, v2;
	v2 =	vld [tilespmem:s24+$0x8620];
	v55, _, _ =	vpop (xrf2);
	(xrf2) =	vadd.scan.msk.f32 $0xffff, v26;
	v26 =	vadd.f32 v51, v29  }
0xb3: {  	v13, _, _ =	vpop (xrf2);
	(xrf2) =	vadd.scan.msk.f32 $0xffff, v14;
	v14 =	vadd.f32 v16, v15;
	v15 =	vmul.f32 v17, v19;
	v16 =	vmul.f32 v18, v20;
	v17 =	vld [tilespmem:s24+$0x8630]  }
0xb4: {  	v0 =	vadd.f32 v0, v1;
	v1 =	vmul.f32 v21, v19;
	v19 =	vmul.f32 v22, v20;
	v20 =	vld [tilespmem:s24+$0x87F0];
	v18, _, _ =	vpop (xrf2);
	(xrf2) =	vadd.scan.msk.f32 $0xffff, v26  }
0xb5: {  	v22 =	vld [tilespmem:s24+$0x8680];
	v21, _, _ =	vpop (xrf2);
	(xrf2) =	vadd.scan.msk.f32 $0xffff, v14;
	v14 =	vadd.f32 v16, v15;
	v15 =	vmul.f32 v23, v25;
	v16 =	vmul.f32 v24, v27  }
0xb6: {  	v26 =	vld [tilespmem:s24+$0x87A0];
	v23, _, _ =	vpop (xrf2);
	(xrf2) =	vadd.scan.msk.f32 $0xffff, v0;
	v0 =	vadd.f32 v19, v1;
	v19 =	vmul.f32 v30, v27  }
0xb7: {  	v24 =	vld [tilespmem:s24+$0x8690];
	v1 =	vmul.f32 v28, v25;
	v25, _, _ =	vpop (xrf2);
	(xrf2) =	vadd.scan.msk.f32 $0xffff, v14;
	v14 =	vadd.f32 v16, v15;
	v16 =	vmul.f32 v47, v52  }
0xb8: {  	v28 =	vmul.f32 v53, v3;
	v3 =	vld [tilespmem:$0x1FFB0];
	v15 =	vmul.f32 v46, v49  }
0xb9: {  	v27, _, _ =	vpop (xrf2);
	(xrf2) =	vadd.scan.msk.f32 $0xffff, v0;
	v0 =	vadd.f32 v19, v1;
	v1 =	vmul.f32 v2, v49;
	v2 =	vmul.f32 v17, v52;
	v17 =	vld [tilespmem:s24+$0x86E0]  }
0xba: {  	v19, _, _ =	vpop (xrf2);
	(xrf2) =	vadd.scan.msk.f32 $0xffff, v14;
	v14 =	vadd.f32 v16, v15;
	v15 =	vld [tilespmem:s24+$0x86F0]  }
0xbb: {  	v16, _, _ =	vpop (xrf2);
	(xrf2) =	vadd.scan.msk.f32 $0xffff, v0;
	v0 =	vadd.f32 v2, v1;
	v1 =	vld [tilespmem:s24+$0x87B0]  }
0xbc: {  	v11 =	vmul.f32 v24, v11;
	v24 =	vld [tilespmem:s24+$0x8750]  }
0xbd: {  	v20 =	vmul.f32 v20, v3;
	v3 =	vld [tilespmem:$0x1FFC0]  }
0xbe: {  	[tilespmem:$0x1FFF0] =	vst v5;
	v5 =	vmov v10;
	v10 =	vmul.f32 v22, v54;
	v2, _, _ =	vpop (xrf2);
	(xrf2) =	vadd.scan.msk.f32 $0xffff, v14;
	v14 =	vld [tilespmem:s24+$0x8740]  }
0xbf: {  	v7 =	vmul.f32 v17, v8;
	v8 =	vmul.f32 v15, v5;
	v5 =	vld [tilespmem:$0x1FFF0]  }
0xc0: {  	v10 =	vadd.f32 v11, v10;
	v22, _, _ =	vpop (xrf2);
	(xrf2) =	vadd.scan.msk.f32 $0xffff, v0;
	v1 =	vmul.f32 v1, v4;
	v4 =	vld [tilespmem:$0x1FFE0]  }
0xc1: {  	v0, _, _ =	vpop (xrf2)  }
0xc2: {  	v3 =	vmul.f32 v26, v3;
	v26, _, _ =	vpop (xrf2)  }
0xc3: {  	v15, _, _ =	vpop (xrf2);
	v7 =	vadd.f32 v8, v7  }
0xc4: {  	(xrf2) =	vadd.scan.msk.f32 $0xffff, v10;
	v10, _, _ =	vpop (xrf2);
	v5 =	vmul.f32 v24, v5  }
0xc5: {  	v30, _, _ =	vpop (xrf2);
	v4 =	vmul.f32 v14, v4  }
0xc6: {  	v14, _, _ =	vpop (xrf2)  }
0xc7: {  	v29 =	vbroadcast v50, $0xF;
	v18 =	vbroadcast v18, $0xF;
	(xrf2) =	vadd.scan.msk.f32 $0xffff, v7;
	v7, _, _ =	vpop (xrf2);
	v4 =	vadd.f32 v5, v4  }
0xc8: {  	v21 =	vbroadcast v21, $0xF;
	v16 =	vbroadcast v16, $0xF;
	v5, _, _ =	vpop (xrf2)  }
0xc9: {  	v24 =	vbroadcast v25, $0xF;
	v25, _, _ =	vpop (xrf2);
	(xrf2) =	vadd.scan.msk.f32 $0xffff, v4;
	v4 =	vbroadcast v7, $0xF  }
0xca: {  	v1 =	vadd.f32 v1, v3;
	v5 =	vbroadcast v5, $0xF;
	v7 =	vbroadcast v25, $0xF;
	v3, _, _ =	vpop (xrf2)  }
0xcb: {  	v30 =	vbroadcast v30, $0xF;
	v3 =	vbroadcast v3, $0xF  }
0xcc: {  	v4 =	vsel vm0, v4, v7;
	v7 =	vbroadcast v14, $0xF;
	v14 =	vbroadcast v15, $0xF  }
0xcd: {  	(xrf2) =	vadd.scan.msk.f32 $0xffff, v1;
	v1 =	vsel vm0, v5, v3;
	v3 =	vsel vm1, v4, v30;
	v4 =	vbroadcast v10, $0xF  }
0xce: {  	v20 =	vadd.f32 v20, v28;
	v22 =	vbroadcast v22, $0xF;
	v26 =	vbroadcast v26, $0xF;
	v5, _, _ =	vpop (xrf2)  }
0xcf: {  	v1 =	vsel vm1, v1, v7;
	v3 =	vsel vm2, v3, v14;
	v5 =	vbroadcast v5, $0xF  }
0xd0: {  	v0 =	vbroadcast v0, $0xF;
	v1 =	vsel vm2, v1, v4;
	v3 =	vsel vm3, v3, v26  }
0xd1: {  	v2 =	vbroadcast v2, $0xF;
	v1 =	vsel vm3, v1, v5;
	v3 =	vsel vm4, v3, v22;
	v4, _, _ =	vpop (xrf2)  }
0xd2: {  	v0 =	vsel vm4, v1, v0;
	v1 =	vsel vm5, v3, v16;
	v3 =	vbroadcast v4, $0xF  }
0xd3: {  	v19 =	vbroadcast v19, $0xF;
	(xrf2) =	vadd.scan.msk.f32 $0xffff, v20;
	v0 =	vsel vm5, v0, v2;
	v2 =	vbroadcast v27, $0xF  }
0xd4: {  	v8 =	vbroadcast v55, $0xF;
	v4, _, _ =	vpop (xrf2);
	v0 =	vsel vm6, v0, v3;
	v3 =	vbroadcast v23, $0xF  }
0xd5: {  	v1 =	vsel vm6, v1, v19;
	v0 =	vsel vm7, v0, v2;
	v2 =	vbroadcast v4, $0xF  }
0xd6: {  	v1 =	vsel vm7, v1, v24;
	v0 =	vsel vm8, v0, v3;
	v3 =	vbroadcast v13, $0xF  }
0xd7: {  	v1 =	vsel vm8, v1, v21;
	v0 =	vsel vm9, v0, v2;
	v2 =	vbroadcast v12, $0xF  }
0xd8: {  	v17 =	vbroadcast v48, $0xF;
	v1 =	vsel vm9, v1, v18;
	v0 =	vsel vm10, v0, v3  }
0xd9: {  	v4, _, _ =	vpop (xrf2);
	v1 =	vsel vm10, v1, v8;
	v0 =	vsel vm11, v0, v2;
	v2 =	vbroadcast v9, $0xF  }
0xda: {  	v11 =	vbroadcast v31, $0xF;
	v1 =	vsel vm11, v1, v29;
	v3 =	vbroadcast v4, $0xF  }
0xdb: {  	v1 =	vsel vm12, v1, v17  }
0xdc: {  	v1 =	vsel vm13, v1, v11;
	v0 =	vsel vm12, v0, v3  }
0xdd: {  	v1 =	vsel vm14, v1, v6;
	v0 =	vsel vm13, v0, v2;
	v2, _, _ =	vpop (xrf2)  }
0xde: {  	[tilespmem:s18+$0x0] =	vst v1;
	v0 =	vsel vm14, v0, v2  }
0xdf: {  	s23 =	simm.s32 $0x200;
	[tilespmem:s19+$0x0] =	vst v0  }
0xe0: {  	v0 =	vld [tilespmem:s23+$0x47E0]  }
0xe1: {  	v3 =	vld [tilespmem:s23+$0x47F0]  }
0xe2: {  	v8 =	vld [tilespmem:s23+$0x87C0]  }
0xe3: {  	v9 =	vld [tilespmem:s23+$0x87D0]  }
0xe4: {  	v12 =	vld [tilespmem:s23+$0x47C0]  }
0xe5: {  	v13 =	vld [tilespmem:s23+$0x47D0]  }
0xe6: {  	v14 =	vld [tilespmem:s23+$0x47A0]  }
0xe7: {  	v1 =	vld [tilespmem:s23+$0x7E0]  }
0xe8: {  	v2 =	vld [tilespmem:s23+$0x7F0]  }
0xe9: {  	v15 =	vld [tilespmem:s23+$0x47B0]  }
0xea: {  	v16 =	vld [tilespmem:s23+$0x7C0]  }
0xeb: {  	v17 =	vld [tilespmem:s23+$0x7D0]  }
0xec: {  	v18 =	vld [tilespmem:s23+$0x8780]  }
0xed: {  	v19 =	vld [tilespmem:s23+$0x8790]  }
0xee: {  	v20 =	vld [tilespmem:s23+$0x4780]  }
0xef: {  	v21 =	vld [tilespmem:s23+$0x4790]  }
0xf0: {  	v5 =	vld [tilespmem:s23+$0x7A0]  }
0xf1: {  	v4 =	vld [tilespmem:s23+$0x7B0]  }
0xf2: {  	v22 =	vld [tilespmem:s23+$0x8760]  }
0xf3: {  	v23 =	vld [tilespmem:s23+$0x780]  }
0xf4: {  	v24 =	vld [tilespmem:s23+$0x790]  }
0xf5: {  	v25 =	vld [tilespmem:s23+$0x8770]  }
0xf6: {  	v26 =	vld [tilespmem:s23+$0x4760]  }
0xf7: {  	v27 =	vld [tilespmem:s23+$0x4770]  }
0xf8: {  	v28 =	vld [tilespmem:s23+$0x4740]  }
0xf9: {  	v29 =	vld [tilespmem:s23+$0x760]  }
0xfa: {  	v30 =	vld [tilespmem:s23+$0x770]  }
0xfb: {  	v31 =	vld [tilespmem:s23+$0x4750]  }
0xfc: {  	v32 =	vld [tilespmem:s23+$0x8720]  }
0xfd: {  	v33 =	vld [tilespmem:s23+$0x8730]  }
0xfe: {  	v34 =	vld [tilespmem:s23+$0x4720]  }
0xff: {  	v6 =	vld [tilespmem:s23+$0x740]  }
0x100: {  	v7 =	vld [tilespmem:s23+$0x750]  }
0x101: {  	v35 =	vld [tilespmem:s23+$0x4730]  }
0x102: {  	v36 =	vld [tilespmem:s23+$0x720]  }
0x103: {  	v37 =	vld [tilespmem:s23+$0x730]  }
0x104: {  	v38 =	vld [tilespmem:s23+$0x8700]  }
0x105: {  	v39 =	vld [tilespmem:s23+$0x8710]  }
0x106: {  	v40 =	vld [tilespmem:s23+$0x4700]  }
0x107: {  	v41 =	vld [tilespmem:s23+$0x4710]  }
0x108: {  	v42 =	vld [tilespmem:s23+$0x700]  }
0x109: {  	v43 =	vld [tilespmem:s23+$0x710]  }
0x10a: {  	v44 =	vld [tilespmem:s23+$0x46E0]  }
0x10b: {  	v45 =	vld [tilespmem:s23+$0x46F0]  }
0x10c: {  	v56 =	vld [tilespmem:s23+$0x86C0]  }
0x10d: {  	v57 =	vld [tilespmem:s23+$0x46C0]  }
0x10e: {  	v10 =	vld [tilespmem:s23+$0x6E0]  }
0x10f: {  	v11 =	vld [tilespmem:s23+$0x6F0]  }
0x110: {  	v58 =	vld [tilespmem:s23+$0x46D0]  }
0x111: {  	v59 =	vld [tilespmem:s23+$0x6C0]  }
0x112: {  	v60 =	vld [tilespmem:s23+$0x6D0];
	v0 =	vmul.f32 v0, v1;
	v3 =	vmul.f32 v3, v2  }
0x113: {  	v61 =	vld [tilespmem:s23+$0x86D0];
	v12 =	vmul.f32 v12, v16;
	v13 =	vmul.f32 v13, v17  }
0x114: {  	v62 =	vld [tilespmem:s23+$0x86A0];
	v0 =	vadd.f32 v3, v0;
	v3 =	vmul.f32 v8, v16;
	v8 =	vmul.f32 v9, v17  }
0x115: {  	v63 =	vld [tilespmem:s23+$0x46A0];
	v12 =	vadd.f32 v13, v12;
	v13 =	vmul.f32 v14, v5;
	v14 =	vmul.f32 v15, v4  }
0x116: {  	v9 =	vld [tilespmem:s23+$0x46B0];
	(xrf2) =	vadd.scan.msk.f32 $0xffff, v0;
	v0 =	vadd.f32 v8, v3;
	v3 =	vmul.f32 v20, v23;
	v8 =	vmul.f32 v21, v24  }
0x117: {  	v15 =	vld [tilespmem:s23+$0x6A0];
	(xrf2) =	vadd.scan.msk.f32 $0xffff, v12;
	v12 =	vadd.f32 v14, v13;
	v13 =	vmul.f32 v18, v23;
	v14 =	vmul.f32 v19, v24  }
0x118: {  	v16 =	vld [tilespmem:s23+$0x6B0];
	(xrf2) =	vadd.scan.msk.f32 $0xffff, v0;
	v0 =	vadd.f32 v8, v3;
	v3 =	vmul.f32 v26, v29;
	v8 =	vmul.f32 v27, v30  }
0x119: {  	v17 =	vld [tilespmem:s23+$0x86B0];
	(xrf2) =	vadd.scan.msk.f32 $0xffff, v12;
	v12 =	vadd.f32 v14, v13;
	v13 =	vmul.f32 v22, v29;
	v14 =	vmul.f32 v25, v30  }
0x11a: {  	v20 =	vld [tilespmem:s23+$0x4660];
	(xrf2) =	vadd.scan.msk.f32 $0xffff, v0;
	v0 =	vadd.f32 v8, v3;
	v3 =	vmul.f32 v28, v6;
	v8 =	vmul.f32 v31, v7  }
0x11b: {  	v21 =	vld [tilespmem:s23+$0x680];
	(xrf2) =	vadd.scan.msk.f32 $0xffff, v12;
	v12 =	vadd.f32 v14, v13;
	v13 =	vmul.f32 v34, v36;
	v14 =	vmul.f32 v35, v37  }
0x11c: {  	v18 =	vld [tilespmem:s23+$0x4680];
	(xrf2) =	vadd.scan.msk.f32 $0xffff, v0;
	v0 =	vadd.f32 v8, v3;
	v3 =	vmul.f32 v32, v36;
	v8 =	vmul.f32 v33, v37  }
0x11d: {  	v19 =	vld [tilespmem:s23+$0x4690];
	(xrf2) =	vadd.scan.msk.f32 $0xffff, v12;
	v12 =	vadd.f32 v14, v13;
	v13 =	vmul.f32 v40, v42;
	v14 =	vmul.f32 v41, v43  }
0x11e: {  	v23 =	vld [tilespmem:s23+$0x4670];
	v24 =	vmul.f32 v39, v43;
	(xrf2) =	vadd.scan.msk.f32 $0xffff, v0;
	v3 =	vadd.f32 v8, v3;
	v8 =	vmul.f32 v38, v42  }
0x11f: {  	v26 =	vld [tilespmem:s23+$0x660];
	v25 =	vmul.f32 v45, v11;
	(xrf2) =	vadd.scan.msk.f32 $0xffff, v12;
	v13 =	vadd.f32 v14, v13;
	v14 =	vmul.f32 v44, v10  }
0x120: {  	v22 =	vld [tilespmem:s23+$0x690];
	v28 =	vmul.f32 v58, v60;
	v0, _, _ =	vpop (xrf2);
	(xrf2) =	vadd.scan.msk.f32 $0xffff, v3;
	v8 =	vadd.f32 v24, v8;
	v24 =	vmul.f32 v57, v59  }
0x121: {  	v27 =	vld [tilespmem:s23+$0x670];
	v30 =	vmul.f32 v61, v60;
	v9 =	vmul.f32 v9, v16;
	v12, _, _ =	vpop (xrf2);
	(xrf2) =	vadd.scan.msk.f32 $0xffff, v13;
	v13 =	vadd.f32 v25, v14  }
0x122: {  	v25 =	vmul.f32 v56, v59;
	v3, _, _ =	vpop (xrf2);
	(xrf2) =	vadd.scan.msk.f32 $0xffff, v8;
	v8 =	vadd.f32 v28, v24;
	v24 =	vmul.f32 v63, v15  }
0x123: {  	v16 =	vmul.f32 v17, v16  }
0x124: {  	v14, _, _ =	vpop (xrf2);
	(xrf2) =	vadd.scan.msk.f32 $0xffff, v13;
	v13 =	vadd.f32 v30, v25;
	v25 =	vmul.f32 v62, v15;
	v9 =	vadd.f32 v9, v24  }
0x125: {  	v18 =	vmul.f32 v18, v21;
	v19 =	vmul.f32 v19, v22;
	v15, _, _ =	vpop (xrf2);
	(xrf2) =	vadd.scan.msk.f32 $0xffff, v8  }
0x126: {  	v8, _, _ =	vpop (xrf2);
	(xrf2) =	vadd.scan.msk.f32 $0xffff, v13;
	v13 =	vadd.f32 v16, v25;
	v16 =	vmul.f32 v20, v26;
	v20 =	vmul.f32 v23, v27  }
0x127: {  	v54 =	vld [tilespmem:s23+$0x650];
	v19 =	vadd.f32 v19, v18;
	v17, _, _ =	vpop (xrf2);
	(xrf2) =	vadd.scan.msk.f32 $0xffff, v9  }
0x128: {  	v29 =	vld [tilespmem:s23+$0x8660];
	v9, _, _ =	vpop (xrf2);
	(xrf2) =	vadd.scan.msk.f32 $0xffff, v13;
	v13 =	vadd.f32 v20, v16  }
0x129: {  	v31 =	vld [tilespmem:s23+$0x8670]  }
0x12a: {  	v28 =	vld [tilespmem:s23+$0x4640];
	v18, _, _ =	vpop (xrf2)  }
0x12b: {  	v30 =	vld [tilespmem:s23+$0x4650];
	(xrf2) =	vadd.scan.msk.f32 $0xffff, v19;
	v19, _, _ =	vpop (xrf2)  }
0x12c: {  	v24 =	vld [tilespmem:s23+$0x640];
	(xrf2) =	vadd.scan.msk.f32 $0xffff, v13;
	v13, _, _ =	vpop (xrf2)  }
0x12d: {  	v55 =	vld [tilespmem:s23+$0x8640];
	v23, _, _ =	vpop (xrf2)  }
0x12e: {  	v58 =	vld [tilespmem:s23+$0x4610];
	v29 =	vmul.f32 v29, v26;
	v27 =	vmul.f32 v31, v27;
	v16, _, _ =	vpop (xrf2)  }
0x12f: {  	v56 =	vld [tilespmem:s23+$0x8650];
	v25, _, _ =	vpop (xrf2)  }
0x130: {  	v60 =	vld [tilespmem:s23+$0x610];
	v29 =	vadd.f32 v27, v29;
	v26, _, _ =	vpop (xrf2)  }
0x131: {  	v57 =	vld [tilespmem:s23+$0x4600];
	v30 =	vmul.f32 v30, v54;
	v28 =	vmul.f32 v28, v24;
	v20, _, _ =	vpop (xrf2)  }
0x132: {  	v59 =	vld [tilespmem:s23+$0x600];
	v27, _, _ =	vpop (xrf2);
	(xrf2) =	vadd.scan.msk.f32 $0xffff, v29  }
0x133: {  	v61 =	vld [tilespmem:s23+$0x8600];
	v28 =	vadd.f32 v30, v28  }
0x134: {  	v33 =	vld [tilespmem:s23+$0x4630];
	v34 =	vmul.f32 v56, v54;
	v63 =	vmul.f32 v55, v24  }
0x135: {  	v62 =	vld [tilespmem:s23+$0x8610];
	(xrf2) =	vadd.scan.msk.f32 $0xffff, v28  }
0x136: {  	v32 =	vld [tilespmem:s23+$0x620];
	v41 =	vadd.f32 v34, v63  }
0x137: {  	v36 =	vmul.f32 v58, v60;
	v31 =	vld [tilespmem:s23+$0x4620];
	v35 =	vmul.f32 v57, v59  }
0x138: {  	v34 =	vld [tilespmem:s23+$0x630];
	v24, _, _ =	vpop (xrf2);
	(xrf2) =	vadd.scan.msk.f32 $0xffff, v41  }
0x139: {  	v36 =	vadd.f32 v36, v35;
	v35 =	vld [tilespmem:s23+$0x8620];
	v29, _, _ =	vpop (xrf2)  }
0x13a: {  	s21 =	simm.s32 $0xC800;
	s22 =	simm.s32 $0xC600;
	s24 =	simm.s32 $0x1000;
	v37 =	vmul.f32 v61, v59;
	v38 =	vmul.f32 v62, v60;
	v30 =	vld [tilespmem:s23+$0x87E0];
	v28, _, _ =	vpop (xrf2)  }
.LBB2_2:
0x13b: {  	p0 =	sne.s32 s24, $0xF800;
	v39 =	vld [tilespmem:s23+$0x8630];
	(xrf2) =	vadd.scan.msk.f32 $0xffff, v36  }
0x13c: {  	v42 =	vadd.f32 v38, v37;
	v37 =	vld [tilespmem:s23+$0x87F0];
	v38, _, _ =	vpop (xrf2)  }
0x13d: {  	v31 =	vmul.f32 v31, v32;
	v33 =	vmul.f32 v33, v34;
	v40 =	vld [tilespmem:s23+$0x8680]  }
0x13e: {  	v41 =	vld [tilespmem:s23+$0x8690];
	(xrf2) =	vadd.scan.msk.f32 $0xffff, v42  }
0x13f: {  	v31 =	vadd.f32 v33, v31;
	v33 =	vld [tilespmem:s23+$0x87A0];
	v36, _, _ =	vpop (xrf2)  }
0x140: {  	v32 =	vmul.f32 v35, v32;
	v42 =	vmul.f32 v39, v34;
	v35 =	vld [tilespmem:s23+$0x86E0]  }
0x141: {  	v39 =	vld [tilespmem:s23+$0x86F0];
	(xrf2) =	vadd.scan.msk.f32 $0xffff, v31  }
0x142: {  	v31 =	vadd.f32 v42, v32;
	v32 =	vld [tilespmem:s23+$0x87B0];
	v34, _, _ =	vpop (xrf2)  }
0x143: {  	v21 =	vmul.f32 v40, v21;
	v42 =	vmul.f32 v41, v22;
	v40 =	vld [tilespmem:s23+$0x8740]  }
0x144: {  	v1 =	vmul.f32 v30, v1;
	v2 =	vmul.f32 v37, v2;
	v41 =	vld [tilespmem:s23+$0x8750];
	(xrf2) =	vadd.scan.msk.f32 $0xffff, v31  }
0x145: {  	v12 =	vbroadcast v12, $0xF;
	v5 =	vmul.f32 v33, v5;
	v21 =	vadd.f32 v42, v21;
	v22, _, _ =	vpop (xrf2)  }
0x146: {  	v10 =	vmul.f32 v35, v10;
	v11 =	vmul.f32 v39, v11  }
0x147: {  	v14 =	vbroadcast v14, $0xF;
	v4 =	vmul.f32 v32, v4;
	(xrf2) =	vadd.scan.msk.f32 $0xffff, v21  }
0x148: {  	v15 =	vbroadcast v15, $0xF;
	v10 =	vadd.f32 v11, v10;
	v11 =	vbroadcast v17, $0xF;
	v17, _, _ =	vpop (xrf2)  }
0x149: {  	v6 =	vmul.f32 v40, v6;
	v30 =	vmul.f32 v41, v7  }
0x14a: {  	v19 =	vbroadcast v19, $0xF;
	v18 =	vbroadcast v18, $0xF;
	(xrf2) =	vadd.scan.msk.f32 $0xffff, v10  }
0x14b: {  	v21 =	vbroadcast v23, $0xF;
	v10 =	vbroadcast v25, $0xF;
	v6 =	vadd.f32 v30, v6;
	v7, _, _ =	vpop (xrf2)  }
0x14c: {  	v23 =	vbroadcast v27, $0xF;
	v25 =	vbroadcast v26, $0xF  }
0x14d: {  	v27 =	vbroadcast v29, $0xF;
	v26 =	vbroadcast v36, $0xF;
	(xrf2) =	vadd.scan.msk.f32 $0xffff, v6  }
0x14e: {  	v4 =	vadd.f32 v4, v5;
	v7 =	vbroadcast v7, $0xF;
	v6 =	vbroadcast v22, $0xF;
	v5, _, _ =	vpop (xrf2)  }
0x14f: {  	v1 =	vadd.f32 v2, v1;
	v22 =	vbroadcast v17, $0xF;
	v5 =	vbroadcast v5, $0xF  }
0x150: {  	v2 =	vsel vm0, v6, v7;
	v6 =	vbroadcast v34, $0xF;
	v7 =	vbroadcast v28, $0xF;
	(xrf2) =	vadd.scan.msk.f32 $0xffff, v4  }
0x151: {  	v2 =	vsel vm1, v2, v26;
	v4 =	vsel vm0, v22, v5;
	v5 =	vbroadcast v38, $0xF;
	v17, _, _ =	vpop (xrf2)  }
0x152: {  	v2 =	vsel vm2, v2, v7;
	v4 =	vsel vm1, v4, v6;
	v6 =	vbroadcast v17, $0xF  }
0x153: {  	v2 =	vsel vm3, v2, v27;
	v4 =	vsel vm2, v4, v5;
	v5 =	vbroadcast v24, $0xF  }
0x154: {  	v17 =	vbroadcast v20, $0xF;
	v2 =	vsel vm4, v2, v23;
	v4 =	vsel vm3, v4, v6;
	v7, _, _ =	vpop (xrf2);
	(xrf2) =	vadd.scan.msk.f32 $0xffff, v1  }
0x155: {  	v2 =	vsel vm5, v2, v25;
	v1 =	vsel vm4, v4, v5;
	v4 =	vbroadcast v7, $0xF  }
0x156: {  	v2 =	vsel vm6, v2, v10;
	v5 =	vbroadcast v16, $0xF;
	v1 =	vsel vm5, v1, v17  }
0x157: {  	v2 =	vsel vm7, v2, v21;
	v1 =	vsel vm6, v1, v4;
	v4 =	vbroadcast v13, $0xF;
	v6, _, _ =	vpop (xrf2)  }
0x158: {  	v2 =	vsel vm8, v2, v19;
	v1 =	vsel vm7, v1, v5;
	v5 =	vbroadcast v6, $0xF  }
0x159: {  	v2 =	vsel vm9, v2, v18;
	v1 =	vsel vm8, v1, v4;
	v4 =	vbroadcast v9, $0xF  }
0x15a: {  	v2 =	vsel vm10, v2, v11;
	v1 =	vsel vm9, v1, v5;
	v5 =	vbroadcast v8, $0xF;
	v6, _, _ =	vpop (xrf2)  }
0x15b: {  	v2 =	vsel vm11, v2, v15;
	v1 =	vsel vm10, v1, v4;
	v4 =	vbroadcast v6, $0xF  }
0x15c: {  	v3 =	vbroadcast v3, $0xF;
	v1 =	vsel vm11, v1, v5;
	v5 =	vsel vm12, v2, v14  }
0x15d: {  	v1 =	vsel vm12, v1, v4;
	v4 =	vsel vm13, v5, v12  }
0x15e: {  	s22 =	sadd.s32 $0x10, s22;
	v1 =	vsel vm13, v1, v3;
	v0 =	vsel vm14, v4, v0;
	v2, _, _ =	vpop (xrf2)  }
0x15f: {  	s21 =	sadd.s32 $0x10, s21;
	v1 =	vsel vm14, v1, v2;
	[tilespmem:s22+$0x0] =	vst v0  }
0x160: {  	s23 =	sshra.s32 s24, $0x2;
	[tilespmem:s21+$0x0] =	vst v1  }
0x161: {  	v0 =	vld [tilespmem:s23+$0x47E0]  }
0x162: {  	v3 =	vld [tilespmem:s23+$0x47F0]  }
0x163: {  	v6 =	vld [tilespmem:s23+$0x87C0]  }
0x164: {  	v7 =	vld [tilespmem:s23+$0x87D0]  }
0x165: {  	v4 =	vld [tilespmem:s23+$0x47C0]  }
0x166: {  	v8 =	vld [tilespmem:s23+$0x47D0]  }
0x167: {  	v9 =	vld [tilespmem:s23+$0x47A0]  }
0x168: {  	v1 =	vld [tilespmem:s23+$0x7E0]  }
0x169: {  	v2 =	vld [tilespmem:s23+$0x7F0]  }
0x16a: {  	v10 =	vld [tilespmem:s23+$0x47B0]  }
0x16b: {  	v11 =	vld [tilespmem:s23+$0x7C0]  }
0x16c: {  	v12 =	vld [tilespmem:s23+$0x7D0]  }
0x16d: {  	v13 =	vld [tilespmem:s23+$0x8780]  }
0x16e: {  	v0 =	vmul.f32 v0, v1;
	v14 =	vld [tilespmem:s23+$0x8790];
	v3 =	vmul.f32 v3, v2  }
0x16f: {  	v15 =	vld [tilespmem:s23+$0x4780]  }
0x170: {  	v16 =	vld [tilespmem:s23+$0x4790];
	v0 =	vadd.f32 v3, v0  }
0x171: {  	v3 =	vmul.f32 v4, v11;
	v5 =	vld [tilespmem:s23+$0x7A0];
	v8 =	vmul.f32 v8, v12  }
0x172: {  	v4 =	vld [tilespmem:s23+$0x7B0];
	(xrf2) =	vadd.scan.msk.f32 $0xffff, v0  }
0x173: {  	v17 =	vld [tilespmem:s23+$0x8760];
	v0 =	vadd.f32 v8, v3  }
0x174: {  	v6 =	vmul.f32 v6, v11;
	v7 =	vmul.f32 v7, v12;
	v3 =	vld [tilespmem:s23+$0x780]  }
0x175: {  	v8 =	vld [tilespmem:s23+$0x790];
	(xrf2) =	vadd.scan.msk.f32 $0xffff, v0  }
0x176: {  	v0 =	vadd.f32 v7, v6;
	v11 =	vld [tilespmem:s23+$0x8770]  }
0x177: {  	v6 =	vmul.f32 v9, v5;
	v7 =	vld [tilespmem:s23+$0x4760];
	v9 =	vmul.f32 v10, v4  }
0x178: {  	v10 =	vld [tilespmem:s23+$0x4770];
	(xrf2) =	vadd.scan.msk.f32 $0xffff, v0  }
0x179: {  	v18 =	vld [tilespmem:s23+$0x4740];
	v19 =	vadd.f32 v9, v6  }
0x17a: {  	v6 =	vmul.f32 v15, v3;
	v9 =	vld [tilespmem:s23+$0x760];
	v12 =	vmul.f32 v16, v8  }
0x17b: {  	v15 =	vld [tilespmem:s23+$0x770];
	(xrf2) =	vadd.scan.msk.f32 $0xffff, v19  }
0x17c: {  	v16 =	vld [tilespmem:s23+$0x4750];
	v6 =	vadd.f32 v12, v6;
	v0, _, _ =	vpop (xrf2)  }
0x17d: {  	v3 =	vmul.f32 v13, v3;
	v8 =	vmul.f32 v14, v8;
	v19 =	vld [tilespmem:s23+$0x8720]  }
0x17e: {  	v13 =	vld [tilespmem:s23+$0x8730];
	(xrf2) =	vadd.scan.msk.f32 $0xffff, v6  }
0x17f: {  	v14 =	vadd.f32 v8, v3;
	v20 =	vld [tilespmem:s23+$0x4720];
	v12, _, _ =	vpop (xrf2)  }
0x180: {  	v8 =	vmul.f32 v7, v9;
	v6 =	vld [tilespmem:s23+$0x740];
	v10 =	vmul.f32 v10, v15  }
0x181: {  	v7 =	vld [tilespmem:s23+$0x750];
	(xrf2) =	vadd.scan.msk.f32 $0xffff, v14  }
0x182: {  	v21 =	vld [tilespmem:s23+$0x4730];
	v8 =	vadd.f32 v10, v8;
	v3, _, _ =	vpop (xrf2)  }
0x183: {  	v9 =	vmul.f32 v17, v9;
	v11 =	vmul.f32 v11, v15;
	v10 =	vld [tilespmem:s23+$0x720]  }
0x184: {  	v17 =	vld [tilespmem:s23+$0x730];
	(xrf2) =	vadd.scan.msk.f32 $0xffff, v8  }
0x185: {  	v8 =	vadd.f32 v11, v9;
	v22 =	vld [tilespmem:s23+$0x8700];
	v14, _, _ =	vpop (xrf2)  }
0x186: {  	v9 =	vmul.f32 v18, v6;
	v23 =	vld [tilespmem:s23+$0x8710];
	v11 =	vmul.f32 v16, v7  }
0x187: {  	v16 =	vld [tilespmem:s23+$0x4700];
	(xrf2) =	vadd.scan.msk.f32 $0xffff, v8  }
0x188: {  	v18 =	vld [tilespmem:s23+$0x4710];
	v25 =	vadd.f32 v11, v9;
	v15, _, _ =	vpop (xrf2)  }
0x189: {  	v9 =	vmul.f32 v20, v10;
	v24 =	vld [tilespmem:s23+$0x700];
	v11 =	vmul.f32 v21, v17  }
0x18a: {  	v20 =	vld [tilespmem:s23+$0x710];
	(xrf2) =	vadd.scan.msk.f32 $0xffff, v25  }
0x18b: {  	v21 =	vld [tilespmem:s23+$0x46E0];
	v9 =	vadd.f32 v11, v9;
	v8, _, _ =	vpop (xrf2)  }
0x18c: {  	v10 =	vmul.f32 v19, v10;
	v11 =	vmul.f32 v13, v17;
	v25 =	vld [tilespmem:s23+$0x46F0]  }
0x18d: {  	v26 =	vld [tilespmem:s23+$0x86C0];
	(xrf2) =	vadd.scan.msk.f32 $0xffff, v9  }
0x18e: {  	v19 =	vadd.f32 v11, v10;
	v13 =	vld [tilespmem:s23+$0x46C0];
	v17, _, _ =	vpop (xrf2)  }
0x18f: {  	v16 =	vmul.f32 v16, v24;
	v10 =	vld [tilespmem:s23+$0x6E0];
	v18 =	vmul.f32 v18, v20  }
0x190: {  	v11 =	vld [tilespmem:s23+$0x6F0];
	(xrf2) =	vadd.scan.msk.f32 $0xffff, v19  }
0x191: {  	v27 =	vld [tilespmem:s23+$0x46D0];
	v16 =	vadd.f32 v18, v16;
	v9, _, _ =	vpop (xrf2)  }
0x192: {  	v22 =	vmul.f32 v22, v24;
	v19 =	vmul.f32 v23, v20;
	v28 =	vld [tilespmem:s23+$0x6C0]  }
0x193: {  	v20 =	vld [tilespmem:s23+$0x6D0];
	(xrf2) =	vadd.scan.msk.f32 $0xffff, v16  }
0x194: {  	v23 =	vadd.f32 v19, v22;
	v16 =	vld [tilespmem:s23+$0x86D0];
	v18, _, _ =	vpop (xrf2)  }
0x195: {  	v21 =	vmul.f32 v21, v10;
	v24 =	vld [tilespmem:s23+$0x86A0];
	v22 =	vmul.f32 v25, v11  }
0x196: {  	v25 =	vld [tilespmem:s23+$0x46A0];
	(xrf2) =	vadd.scan.msk.f32 $0xffff, v23  }
0x197: {  	v29 =	vld [tilespmem:s23+$0x46B0];
	v21 =	vadd.f32 v22, v21;
	v19, _, _ =	vpop (xrf2)  }
0x198: {  	v23 =	vmul.f32 v13, v28;
	v30 =	vld [tilespmem:s23+$0x6A0];
	v22 =	vmul.f32 v27, v20  }
0x199: {  	v27 =	vld [tilespmem:s23+$0x6B0];
	(xrf2) =	vadd.scan.msk.f32 $0xffff, v21  }
0x19a: {  	v31 =	vld [tilespmem:s23+$0x86B0];
	v21 =	vadd.f32 v22, v23;
	v13, _, _ =	vpop (xrf2)  }
0x19b: {  	v16 =	vmul.f32 v16, v20;
	v22 =	vmul.f32 v26, v28;
	v32 =	vld [tilespmem:s23+$0x4680]  }
0x19c: {  	v20 =	vld [tilespmem:s23+$0x4690];
	(xrf2) =	vadd.scan.msk.f32 $0xffff, v21  }
0x19d: {  	v33 =	vadd.f32 v16, v22;
	v28 =	vld [tilespmem:s23+$0x4660];
	v23, _, _ =	vpop (xrf2)  }
0x19e: {  	v25 =	vmul.f32 v25, v30;
	v21 =	vld [tilespmem:s23+$0x680];
	v26 =	vmul.f32 v29, v27  }
0x19f: {  	v22 =	vld [tilespmem:s23+$0x690];
	(xrf2) =	vadd.scan.msk.f32 $0xffff, v33  }
0x1a0: {  	v29 =	vld [tilespmem:s23+$0x4670];
	v34 =	vadd.f32 v26, v25;
	v16, _, _ =	vpop (xrf2)  }
0x1a1: {  	v24 =	vmul.f32 v24, v30;
	v26 =	vmul.f32 v31, v27;
	v33 =	vld [tilespmem:s23+$0x660]  }
0x1a2: {  	v27 =	vld [tilespmem:s23+$0x670];
	(xrf2) =	vadd.scan.msk.f32 $0xffff, v34  }
0x1a3: {  	v24 =	vadd.f32 v26, v24;
	v30 =	vld [tilespmem:s23+$0x8660];
	v25, _, _ =	vpop (xrf2)  }
0x1a4: {  	v34 =	vmul.f32 v32, v21;
	v31 =	vld [tilespmem:s23+$0x8670];
	v20 =	vmul.f32 v20, v22  }
0x1a5: {  	v32 =	vld [tilespmem:s23+$0x4640];
	(xrf2) =	vadd.scan.msk.f32 $0xffff, v24  }
0x1a6: {  	v24 =	vld [tilespmem:s23+$0x4650];
	v37 =	vadd.f32 v20, v34;
	v26, _, _ =	vpop (xrf2)  }
0x1a7: {  	v28 =	vmul.f32 v28, v33;
	v34 =	vld [tilespmem:s23+$0x640];
	v29 =	vmul.f32 v29, v27  }
0x1a8: {  	v35 =	vld [tilespmem:s23+$0x650];
	(xrf2) =	vadd.scan.msk.f32 $0xffff, v37  }
0x1a9: {  	v36 =	vld [tilespmem:s23+$0x8640];
	v28 =	vadd.f32 v29, v28;
	v20, _, _ =	vpop (xrf2)  }
0x1aa: {  	v30 =	vmul.f32 v30, v33;
	v31 =	vmul.f32 v31, v27;
	v29 =	vld [tilespmem:s23+$0x8650]  }
0x1ab: {  	v37 =	vld [tilespmem:s23+$0x4600];
	(xrf2) =	vadd.scan.msk.f32 $0xffff, v28  }
0x1ac: {  	v30 =	vadd.f32 v31, v30;
	v28 =	vld [tilespmem:s23+$0x4610];
	v27, _, _ =	vpop (xrf2)  }
0x1ad: {  	v31 =	vmul.f32 v32, v34;
	v38 =	vld [tilespmem:s23+$0x600];
	v32 =	vmul.f32 v24, v35  }
0x1ae: {  	v39 =	vld [tilespmem:s23+$0x610];
	(xrf2) =	vadd.scan.msk.f32 $0xffff, v30  }
0x1af: {  	v40 =	vld [tilespmem:s23+$0x8600];
	v30 =	vadd.f32 v32, v31;
	v24, _, _ =	vpop (xrf2)  }
0x1b0: {  	v32 =	vmul.f32 v36, v34;
	v34 =	vmul.f32 v29, v35;
	v41 =	vld [tilespmem:s23+$0x8610]  }
0x1b1: {  	v31 =	vld [tilespmem:s23+$0x4620];
	(xrf2) =	vadd.scan.msk.f32 $0xffff, v30  }
.Ltmp0:
0x1b2: {  	v30 =	vadd.f32 v34, v32;
	v33 =	vld [tilespmem:s23+$0x4630];
	v29, _, _ =	vpop (xrf2);
	(pc) =	sbr.rel @p0 .LBB2_2-.Ltmp0, $4  }
0x1b3: {  	v35 =	vmul.f32 v37, v38;
	v37 =	vmul.f32 v28, v39;
	v32 =	vld [tilespmem:s23+$0x620]  }
0x1b4: {  	v34 =	vld [tilespmem:s23+$0x630];
	(xrf2) =	vadd.scan.msk.f32 $0xffff, v30  }
0x1b5: {  	v36 =	vadd.f32 v37, v35;
	v30 =	vld [tilespmem:s23+$0x87E0];
	v28, _, _ =	vpop (xrf2)  }
0x1b6: {  	s24 =	sadd.s32 $0x800, s24;
	v37 =	vmul.f32 v40, v38;
	v38 =	vmul.f32 v41, v39;
	v35 =	vld [tilespmem:s23+$0x8620]  }
0x1b7: {  	v39 =	vld [tilespmem:s23+$0x8630];
	_ =	sdelay $0x1  }
0x1b8: {  	v41 =	vld [tilespmem:s23+$0x8680]  }
0x1b9: {  	v42 =	vld [tilespmem:s23+$0x8690]  }
0x1ba: {  	v31 =	vmul.f32 v31, v32;
	v33 =	vmul.f32 v33, v34  }
0x1bb: {  	v59 =	vld [tilespmem:s23+$0x86E0];
	v37 =	vadd.f32 v38, v37;
	v57 =	vmul.f32 v35, v32;
	v58 =	vmul.f32 v39, v34  }
0x1bc: {  	(xrf2) =	vadd.scan.msk.f32 $0xffff, v36;
	v60 =	vld [tilespmem:s23+$0x86F0];
	v31 =	vadd.f32 v33, v31  }
0x1bd: {  	v12 =	vbroadcast v12, $0xF;
	(xrf2) =	vadd.scan.msk.f32 $0xffff, v37;
	v32 =	vadd.f32 v58, v57  }
0x1be: {  	v62 =	vld [tilespmem:s23+$0x8740];
	v21 =	vmul.f32 v41, v21;
	v22 =	vmul.f32 v42, v22;
	(xrf2) =	vadd.scan.msk.f32 $0xffff, v31  }
0x1bf: {  	v63 =	vld [tilespmem:s23+$0x8750];
	v14 =	vbroadcast v14, $0xF;
	v15 =	vbroadcast v15, $0xF;
	(xrf2) =	vadd.scan.msk.f32 $0xffff, v32  }
0x1c0: {  	v40 =	vld [tilespmem:s23+$0x87F0];
	v19 =	vbroadcast v19, $0xF;
	v18 =	vbroadcast v18, $0xF;
	v21 =	vadd.f32 v22, v21  }
0x1c1: {  	v43 =	vld [tilespmem:s23+$0x87A0];
	v10 =	vmul.f32 v59, v10;
	v11 =	vmul.f32 v60, v11  }
0x1c2: {  	v61 =	vld [tilespmem:s23+$0x87B0];
	v25 =	vbroadcast v25, $0xF;
	v23 =	vbroadcast v23, $0xF;
	(xrf2) =	vadd.scan.msk.f32 $0xffff, v21  }
0x1c3: {  	v27 =	vbroadcast v27, $0xF;
	v26 =	vbroadcast v26, $0xF;
	v33, _, _ =	vpop (xrf2);
	v10 =	vadd.f32 v11, v10  }
0x1c4: {  	v6 =	vmul.f32 v62, v6;
	v7 =	vmul.f32 v63, v7;
	v35, _, _ =	vpop (xrf2)  }
0x1c5: {  	v29 =	vbroadcast v29, $0xF;
	v45 =	vbroadcast v28, $0xF;
	v36, _, _ =	vpop (xrf2);
	(xrf2) =	vadd.scan.msk.f32 $0xffff, v10  }
0x1c6: {  	v1 =	vmul.f32 v30, v1;
	v2 =	vmul.f32 v40, v2;
	v6 =	vadd.f32 v7, v6;
	v37, _, _ =	vpop (xrf2)  }
0x1c7: {  	v5 =	vmul.f32 v43, v5;
	v4 =	vmul.f32 v61, v4;
	v38, _, _ =	vpop (xrf2)  }
0x1c8: {  	v34 =	vbroadcast v17, $0xF;
	v17 =	vbroadcast v35, $0xF;
	(xrf2) =	vadd.scan.msk.f32 $0xffff, v6;
	v39, _, _ =	vpop (xrf2)  }
0x1c9: {  	v4 =	vadd.f32 v4, v5;
	v40 =	vbroadcast v37, $0xF;
	v41 =	vbroadcast v39, $0xF;
	v42, _, _ =	vpop (xrf2)  }
0x1ca: {  	v7 =	vbroadcast v38, $0xF;
	v5 =	vbroadcast v42, $0xF  }
0x1cb: {  	v1 =	vadd.f32 v2, v1;
	v44 =	vbroadcast v36, $0xF;
	(xrf2) =	vadd.scan.msk.f32 $0xffff, v4;
	v43 =	vsel vm0, v40, v41  }
0x1cc: {  	v47 =	vbroadcast v33, $0xF;
	v2 =	vsel vm1, v43, v17;
	v48, _, _ =	vpop (xrf2);
	v46 =	vsel vm0, v7, v5  }
0x1cd: {  	v2 =	vsel vm2, v2, v45;
	v49 =	vbroadcast v48, $0xF;
	v4 =	vsel vm1, v46, v44  }
0x1ce: {  	v50 =	vbroadcast v24, $0xF;
	v2 =	vsel vm3, v2, v29;
	v4 =	vsel vm2, v4, v47  }
0x1cf: {  	v51 =	vbroadcast v20, $0xF;
	v52, _, _ =	vpop (xrf2);
	(xrf2) =	vadd.scan.msk.f32 $0xffff, v1;
	v2 =	vsel vm4, v2, v27;
	v4 =	vsel vm3, v4, v49  }
0x1d0: {  	v54 =	vbroadcast v52, $0xF;
	v2 =	vsel vm5, v2, v26;
	v53 =	vsel vm4, v4, v50  }
0x1d1: {  	v55 =	vbroadcast v16, $0xF;
	v2 =	vsel vm6, v2, v25;
	v1 =	vsel vm5, v53, v51  }
0x1d2: {  	v56 =	vbroadcast v13, $0xF;
	v57, _, _ =	vpop (xrf2);
	v2 =	vsel vm7, v2, v23;
	v1 =	vsel vm6, v1, v54  }
0x1d3: {  	v58 =	vbroadcast v57, $0xF;
	v2 =	vsel vm8, v2, v19;
	v1 =	vsel vm7, v1, v55  }
0x1d4: {  	v59 =	vbroadcast v9, $0xF;
	v2 =	vsel vm9, v2, v18;
	v1 =	vsel vm8, v1, v56  }
0x1d5: {  	v60 =	vbroadcast v8, $0xF;
	v61, _, _ =	vpop (xrf2);
	v2 =	vsel vm10, v2, v34;
	v1 =	vsel vm9, v1, v58  }
0x1d6: {  	v62 =	vbroadcast v61, $0xF;
	v2 =	vsel vm11, v2, v15;
	v1 =	vsel vm10, v1, v59  }
0x1d7: {  	v3 =	vbroadcast v3, $0xF;
	v2 =	vsel vm12, v2, v14;
	v1 =	vsel vm11, v1, v60  }
0x1d8: {  	v2 =	vsel vm13, v2, v12;
	v1 =	vsel vm12, v1, v62  }
0x1d9: {  	s22 =	sadd.s32 $0x10, s22;
	v63, _, _ =	vpop (xrf2);
	v0 =	vsel vm14, v2, v0;
	v1 =	vsel vm13, v1, v3  }
0x1da: {  	s21 =	sadd.s32 $0x10, s21;
	[tilespmem:s22+$0x0] =	vst v0;
	v1 =	vsel vm14, v1, v63  }
0x1db: {  	[tilespmem:s21+$0x0] =	vst v1  }
0x1dc: {  	[hbm4b:s8+s2] =	stream.linear.scatter [tilespmem:s18], [sflag:$0x2], $0x200, $0x38;
	[tilespmem:$0xCA00] =	vst v63  }
0x1dd: {  	s20 =	sadd.s32 $0x1, s20;
	_ =	swait.ge [sflag:s11], $0x200  }
0x1de: {  	p0 =	sne.s32 s20, s10;
	[sflag:s11] =	ssyncset.done $0x0  }
.Ltmp1:
0x1df: {  	[sflag:s11] =	ssyncadd.s32 $0xFFFFFE00;
	(pc) =	sbr.rel @p0 .LBB2_1-.Ltmp1, $4  }
0x1e0: {  	[hbm4b:s9+s2] =	stream.linear.scatter [tilespmem:s19], [sflag:$0x2], $0x200, $0x38;
	[tilespmem:$0xCA00] =	vst v63  }
0x1e1: {  	_ =	swait.ge [sflag:s11], $0x200  }
0x1e2: {  	[sflag:s11] =	ssyncset.done $0x0  }
0x1e3: {  	[sflag:s11] =	ssyncadd.s32 $0xFFFFFE00  }
0x1e4: {  	_ =	sfence.sel $0x180000  }
0x1e5: {  	[bflag:$0x0] =	sbarrier.arrive $0xFFFF  }
0x1e6: {  	_ =	strace $0x90000047  }
0x1e7: {  	s0 =	stileid.u32;
	[bflag:$0x2] =	sbarrier.arrive $0xFFFF  }
0x1e8: {  	p0 =	sne.s32 s0, $0x0;
	s0 =	rddreg [dreg:$0x6]  }
0x1e9: {  	s0 =	sadd.s32 @!p0 $0x100000, s0  }
0x1ea: {  	[sflag:s0] =	ssyncadd.tile.s32 @!p0 $0x1;
	_ =	shalt  }
.Lfunc_end2:
_tile_overlayer_lowered:
.L_overlay_start_2:
0x1eb: {  	(tag) =	ssettag $0x2  }
0x1ec: {  	s0 =	rddreg [dreg:$0x0];
	s2 =	stileid.u32  }
0x1ed: {  	s1 =	rddreg [dreg:$0x1];
	p0 =	sne.s32 s2, $0x0  }
0x1ee: {  	s3 =	rddreg [dreg:$0x2];
	[bflag:$0x3] =	sbarrier.arrive $0xFFFF;
	s2 =	simm.s32 @!p0 $0x1C02  }
0x1ef: {  	[timem:s3], [sflag:s2] =	dma.local @!p0 [hbm:s0], s1  }
0x1f0: {  	s0 =	simm.s32 @!p0 $0x2  }
0x1f1: {  	_ =	swait.ge @!p0 [sflag:s0], s1  }
0x1f2: {  	s1 =	ssub.s32 @!p0 $0x0, s1;
	[sflag:s0] =	ssyncset.done @!p0 $0x0  }
0x1f3: {  	[sflag:s0] =	ssyncadd.s32 @!p0 s1  }
0x1f4: {  	[bflag:$0x3] =	sbarrier.arrive $0xFFFF  }
0x1f5: {  	_ =	shalt  }

</sc_bundles>
